<compile_context>
chip_gen: v7x
topology: tpu7x:2x2x1
jax: 0.10.2.dev20260603
libtpu: 0.0.44.dev20260713+nightly
codegen_flags: <defaults>
</compile_context>

<pallas_src>
import functools

import jax
import jax.numpy as jnp
from jax import lax
from jax.experimental import pallas as pl
from jax.experimental.pallas import tpu as pltpu
from jax.experimental.pallas import tpu_sc as plsc

N = 1_000_000
NPAD = 1_048_576
NW = 32
C = NPAD // NW
S = 8192
G = 128
B = 2048
NTR = 17
PH_SCAN = True
PH_CHUNK = True
PH_CRUMB = True
PH_PLACE = True
PH_TAIL = False
TRASH = NPAD
X_LO, X_HI = -1.0, 1.0
T_LO, T_HI = 0.0, 1.0

_mesh = plsc.VectorSubcoreMesh(core_axis_name="c", subcore_axis_name="s")


def _wid():
    return lax.axis_index("s") * 2 + lax.axis_index("c")


@functools.partial(
    pl.kernel,
    out_type=jax.ShapeDtypeStruct((NW, 16), jnp.int32),
    mesh=_mesh,
    compiler_params=pltpu.CompilerParams(needs_layout_passes=False),
    scratch_types=[
        pltpu.VMEM((S,), jnp.float32),
        pltpu.VMEM((16,), jnp.float32),
        pltpu.VMEM((16,), jnp.int32),
    ],
)
def _k1_count(loss_hbm, mean_hbm, counts_hbm, loss_v, mean_v, cnt_v):
    w = _wid()
    base = w * C
    pltpu.sync_copy(mean_hbm, mean_v)
    meanv = mean_v[...]

    def outer(f, wp):
        pltpu.sync_copy(loss_hbm.at[pl.ds(base + f * S, S)], loss_v)

        def inner(p, wpv):
            m = loss_v[pl.ds(p * 16, 16)] > meanv
            return wpv + plsc.all_reduce_population_count(m)

        return lax.fori_loop(0, S // 16, inner, wp)

    wp = lax.fori_loop(0, C // S, outer, jnp.zeros((16,), jnp.int32))
    cnt_v[...] = wp
    pltpu.sync_copy(cnt_v, counts_hbm.at[w])


@functools.partial(
    pl.kernel,
    out_type=(
        jax.ShapeDtypeStruct((NPAD + 512,), jnp.float32),
        jax.ShapeDtypeStruct((NPAD + 512,), jnp.float32),
    ),
    mesh=_mesh,
    compiler_params=pltpu.CompilerParams(needs_layout_passes=False),
    scratch_types=[
        pltpu.VMEM((NW, 16), jnp.int32),
        pltpu.VMEM((S,), jnp.float32),
        pltpu.VMEM((S,), jnp.float32),
        pltpu.VMEM((S,), jnp.float32),
        pltpu.VMEM((16,), jnp.float32),
        pltpu.VMEM((C + 2 * B,), jnp.float32),
        pltpu.VMEM((C + 2 * B,), jnp.float32),
        pltpu.VMEM((16,), jnp.float32),
        pltpu.VMEM((16,), jnp.float32),
        pltpu.VMEM((NTR, G), jnp.int32),
        pltpu.VMEM((NTR, G), jnp.float32),
        pltpu.VMEM((NTR, G), jnp.float32),
        pltpu.VMEM((B + 16,), jnp.float32),
        pltpu.VMEM((B + 16,), jnp.float32),
        pltpu.VMEM((B,), jnp.float32),
        pltpu.VMEM((B,), jnp.float32),
        pltpu.SemaphoreType.DMA,
    ],
)
def _k2_place(loss_hbm, x_hbm, t_hbm, xn_hbm, tn_hbm, mean_hbm, counts_hbm,
              xo_hbm, to_hbm,
              counts_v, loss_v, x_v, t_v, mean_v, xk_v, tk_v,
              headx, headt, ridx, rdx, rdt, winx, wint, xob, tob, sem):
    w = _wid()
    base = w * C
    lane = lax.iota(jnp.int32, 16)
    zeros = jnp.zeros((16,), jnp.int32)

    pltpu.sync_copy(mean_hbm, mean_v)
    pltpu.sync_copy(counts_hbm, counts_v)
    meanv = mean_v[...]
    c0 = plsc.load_gather(counts_v, [lane, zeros])
    c1 = plsc.load_gather(counts_v, [lane + 16, zeros])
    s0 = plsc.cumsum(c0)
    s1 = plsc.cumsum(c1)
    tot0 = jnp.max(s0)
    total = tot0 + jnp.max(s1)
    e0 = s0 - c0
    e1 = (s1 - c1) + tot0
    lsel = jnp.where(w < 16, w, w - 16)
    ew = jnp.where(w < 16, e0, e1)
    cwv = jnp.where(w < 16, c0, c1)
    p_w = jnp.sum(jnp.where(lane == lsel, ew, 0))
    c_w = jnp.sum(jnp.where(lane == lsel, cwv, 0))
    h = jnp.mod(8 - jnp.mod(p_w, 8), 8)
    trash = TRASH + w * 16
    a0 = p_w + h

    def outer(f, wp):
        pltpu.sync_copy(loss_hbm.at[pl.ds(base + f * S, S)], loss_v)
        pltpu.sync_copy(x_hbm.at[pl.ds(base + f * S, S)], x_v)
        pltpu.sync_copy(t_hbm.at[pl.ds(base + f * S, S)], t_v)

        def inner(p, wpv):
            sl = pl.ds(p * 16, 16)
            m = loss_v[sl] > meanv
            xv = x_v[sl]
            tv = t_v[sl]
            pos = plsc.cumsum(m.astype(jnp.int32))
            tgt = wpv + pos - 1 - h
            mk = jnp.logical_and(m, tgt >= 0)
            mh = jnp.logical_and(m, tgt < 0)
            plsc.store_scatter(xk_v, [tgt], xv, mask=mk)
            plsc.store_scatter(tk_v, [tgt], tv, mask=mk)
            plsc.store_scatter(headx, [tgt + h], xv, mask=mh)
            plsc.store_scatter(headt, [tgt + h], tv, mask=mh)
            return wpv + plsc.all_reduce_population_count(m)

        return lax.fori_loop(0, S // 16, inner, wp)

    if PH_SCAN:
        lax.fori_loop(0, C // S, outer, jnp.zeros((16,), jnp.int32))

    nfull = jnp.maximum(c_w - h, 0) // B

    def chunk_body(m, _):
        dst = pl.multiple_of(a0 + m * B, 8)
        dx = pltpu.async_copy(xk_v.at[pl.ds(m * B, B)],
                              xo_hbm.at[pl.ds(dst, B)], sem)
        dt = pltpu.async_copy(tk_v.at[pl.ds(m * B, B)],
                              to_hbm.at[pl.ds(dst, B)], sem)
        dx.wait()
        dt.wait()
        return 0

    if PH_CHUNK:
        lax.fori_loop(0, nfull, chunk_body, 0)

    hm = lane < jnp.minimum(h, c_w)
    ridx[0, pl.ds(0, 16)] = jnp.where(hm, p_w + lane, trash + lane)
    rdx[0, pl.ds(0, 16)] = headx[...]
    rdt[0, pl.ds(0, 16)] = headt[...]
    for p in range(1, G // 16):
        ridx[0, pl.ds(p * 16, 16)] = trash + lane
    if PH_CRUMB:
        d1 = pltpu.async_copy(rdx.at[0], xo_hbm.at[ridx.at[0]], sem)
        d2 = pltpu.async_copy(rdt.at[0], to_hbm.at[ridx.at[0]], sem)
        d1.wait()
        d2.wait()

    tbase = nfull * B

    def trow_body(r, _):
        @pl.when(tbase + r * G < c_w - h)
        def _():
            for p in range(G // 16):
                slot = tbase + r * G + p * 16
                sv = slot + lane
                valid = sv < c_w - h
                ridx[1, pl.ds(p * 16, 16)] = jnp.where(
                    valid, a0 + sv, trash + lane)
                rdx[1, pl.ds(p * 16, 16)] = xk_v[pl.ds(slot, 16)]
                rdt[1, pl.ds(p * 16, 16)] = tk_v[pl.ds(slot, 16)]
            e1_ = pltpu.async_copy(rdx.at[1], xo_hbm.at[ridx.at[1]], sem)
            e2_ = pltpu.async_copy(rdt.at[1], to_hbm.at[ridx.at[1]], sem)
            e1_.wait()
            e2_.wait()
        return 0

    if PH_CRUMB:
        lax.fori_loop(0, NTR, trow_body, 0)

    def tail_body(q, _):
        bs = base + q * B

        @pl.when(bs >= total)
        def _pure():
            off = bs - total
            ph = jnp.mod(off, 8)
            woff = pl.multiple_of(off - ph, 8)
            gx = pltpu.async_copy(xn_hbm.at[pl.ds(woff, B + 16)],
                                  winx, sem)
            gt = pltpu.async_copy(tn_hbm.at[pl.ds(woff, B + 16)],
                                  wint, sem)
            gx.wait()
            gt.wait()
            for i in range(B // 16):
                gi = (ph + i * 16) + lane
                xob[pl.ds(i * 16, 16)] = plsc.load_gather(winx, [gi])
                tob[pl.ds(i * 16, 16)] = plsc.load_gather(wint, [gi])
            wx = pltpu.async_copy(xob, xo_hbm.at[pl.ds(bs, B)], sem)
            wt = pltpu.async_copy(tob, to_hbm.at[pl.ds(bs, B)], sem)
            wx.wait()
            wt.wait()

        @pl.when(jnp.logical_and(bs < total, bs + B > total))
        def _boundary():
            gx = pltpu.async_copy(xn_hbm.at[pl.ds(0, B + 16)], winx, sem)
            gt = pltpu.async_copy(tn_hbm.at[pl.ds(0, B + 16)], wint, sem)
            gx.wait()
            gt.wait()

            def brow_body(r, _):
                @pl.when(bs + r * G + G > total)
                def _():
                    for p in range(G // 16):
                        j = (bs + r * G + p * 16) + lane
                        tv = j >= total
                        gi = jnp.where(tv, j - total, 0)
                        ridx[2, pl.ds(p * 16, 16)] = jnp.where(
                            tv, j, trash + lane)
                        rdx[2, pl.ds(p * 16, 16)] = plsc.load_gather(
                            winx, [gi])
                        rdt[2, pl.ds(p * 16, 16)] = plsc.load_gather(
                            wint, [gi])
                    f1 = pltpu.async_copy(rdx.at[2],
                                          xo_hbm.at[ridx.at[2]], sem)
                    f2 = pltpu.async_copy(rdt.at[2],
                                          to_hbm.at[ridx.at[2]], sem)
                    f1.wait()
                    f2.wait()
                return 0

            lax.fori_loop(0, B // G, brow_body, 0)
        return 0

    if PH_TAIL:
        lax.fori_loop(0, C // B, tail_body, 0)


def kernel(loss, x, t):
    mean = jnp.mean(loss)
    mean_arr = jnp.full((16,), mean, jnp.float32)
    lf = jnp.pad(loss.reshape(-1), (0, NPAD - N), constant_values=-1.0)
    xf = jnp.pad(x.reshape(-1), (0, NPAD - N))
    tf = jnp.pad(t.reshape(-1), (0, NPAD - N))
    kn = jax.random.split(jax.random.key(1), 2)
    xn = jax.random.uniform(kn[0], (N, 1), minval=X_LO, maxval=X_HI,
                            dtype=jnp.float32).reshape(-1)
    tn = jax.random.uniform(kn[1], (N, 1), minval=T_LO, maxval=T_HI,
                            dtype=jnp.float32).reshape(-1)
    xn = jnp.pad(xn, (0, NPAD + 32 - N))
    tn = jnp.pad(tn, (0, NPAD + 32 - N))
    counts = _k1_count(lf, mean_arr)
    xo, to = _k2_place(lf, xf, tf, xn, tn, mean_arr, counts)
    return (xo[:N, None], to[:N, None])

# --- scband reference (transcript-rebuilt; emitter-appended) ---
"""Pipeline reference for scband-r3-sampler-62208306315782 (READ-ONLY COPY).

The authoritative reference and input builder live on the scoring server;
editing this copy changes nothing except your own understanding.
"""

import jax, jax.numpy as jnp
import numpy as np

N = 1000000
X_LIM = (-1.0, 1.0)
T_LIM = (0.0, 1.0)


def setup_inputs(seed: int = 0) -> dict:
    key = jax.random.key(seed)
    k1, k2, k3 = jax.random.split(key, 3)
    # per-point residual loss (forward arg)
    loss = jnp.abs(jax.random.normal(k1, (N, 1), dtype=jnp.float32))
    # module state buffers x, t ~ U(x_lim), U(t_lim)
    x = jax.random.uniform(k2, (N, 1), minval=X_LIM[0], maxval=X_LIM[1], dtype=jnp.float32)
    t = jax.random.uniform(k3, (N, 1), minval=T_LIM[0], maxval=T_LIM[1], dtype=jnp.float32)
    return {"loss": loss, "x": x, "t": t}


def reference(loss, x, t):
    # fitness = loss (identity in get_fitness)
    fitness = loss
    # mask of retained (high-fitness) points; torch x[mask] with [N,1] mask flattens
    mask = (fitness > jnp.mean(fitness)).reshape(-1)
    order = jnp.argsort(jnp.logical_not(mask), stable=True)
    count = jnp.sum(mask)
    x_old_full = x.reshape(-1)[order]
    t_old_full = t.reshape(-1)[order]
    kn = jax.random.split(jax.random.key(1), 2)
    x_new_full = jax.random.uniform(kn[0], (N, 1), minval=X_LIM[0], maxval=X_LIM[1], dtype=jnp.float32).reshape(-1)
    t_new_full = jax.random.uniform(kn[1], (N, 1), minval=T_LIM[0], maxval=T_LIM[1], dtype=jnp.float32).reshape(-1)
    pos = jnp.arange(N)
    new_idx = jnp.clip(pos - count, 0, N - 1)
    keep = pos < count
    x_out = jnp.where(keep, x_old_full, x_new_full[new_idx])[:, None]
    t_out = jnp.where(keep, t_old_full, t_new_full[new_idx])[:, None]
    return (x_out, t_out)

if __name__ == "__main__":
    import jax
    _d = setup_inputs()
    print(jax.jit(kernel)(*tuple(_d.values())))

</pallas_src>

<mosaic_0001>
#map = affine_map<(d0, d1) -> (0)>
#map1 = affine_map<(d0, d1) -> (0, 0)>
module attributes {stable_mosaic.version = 14 : i64} {
  func.func @_k1_count(%arg0: i32, %arg1: i32, %arg2: memref<1048576xf32, #tpu.memory_space<hbm>>, %arg3: memref<16xf32, #tpu.memory_space<hbm>>, %arg4: memref<32x16xi32, #tpu.memory_space<hbm>>, %arg5: memref<8192xf32, #tpu.memory_space<vmem>>, %arg6: memref<16xf32, #tpu.memory_space<vmem>>, %arg7: memref<16xi32, #tpu.memory_space<vmem>>) attributes {dimension_semantics = [#tpu.dimension_semantics<core_parallel>, #tpu.dimension_semantics<subcore_parallel>], iteration_bounds = array<i64: 2, 16>, scalar_prefetch = 0 : i64, scratch_operands = 3 : i64, tpu.core_type = #tpu.core_type<sc_vector_subcore>, window_params = [{transform_indices = #map}, {transform_indices = #map}, {transform_indices = #map1}]} {
    %mul3A = arith.constant 2 : i32
    %mul3A_0 = arith.muli %arg1, %mul3A : i32
    %add3A = arith.addi %mul3A_0, %arg0 : i32
    %mul3A_1 = arith.constant 32768 : i32
    %mul3A_2 = arith.muli %add3A, %mul3A_1 : i32
    "tpu.region"() ({
      %run_scoped3A = tpu.sem_alloc : memref<!tpu.dma_semaphore, #tpu.memory_space<semaphore_mem>>
      tpu.enqueue_dma source(%arg3 : memref<16xf32, #tpu.memory_space<hbm>>) target(%arg6 : memref<16xf32, #tpu.memory_space<vmem>>) target_semaphore(%run_scoped3A : memref<!tpu.dma_semaphore, #tpu.memory_space<semaphore_mem>>)
      tpu.wait_dma2 semaphore(%run_scoped3A : memref<!tpu.dma_semaphore, #tpu.memory_space<semaphore_mem>>) src(%arg3 : memref<16xf32, #tpu.memory_space<hbm>>) dst(%arg6 : memref<16xf32, #tpu.memory_space<vmem>>)
      tpu.yield
    }) : () -> ()
    %get3A = arith.constant 0 : index
    %get3A_3 = tpu.vector_load %arg6[%get3A] {strides = array<i32>} : memref<16xf32, #tpu.memory_space<vmem>>, vector<16xf32>,
    %broadcast_in_dim3A = arith.constant 0 : i32
    %broadcast_in_dim3A_4 = vector.broadcast %broadcast_in_dim3A : i32 to vector<16xi32>
    %scan3A = arith.constant 0 : i32
    %scan3A_5 = arith.constant 4 : i32
    %scan3A_6 = arith.addi %scan3A, %scan3A_5 : i32
    %scan3A_7 = arith.constant 1 : i32
    %scan3A_8 = scf.for %scan3A_11 = %scan3A to %scan3A_6 step %scan3A_7 iter_args(%scan3A_12 = %broadcast_in_dim3A_4) -> (vector<16xi32>)  : i32 {
      %mul3A_13 = arith.constant 8192 : i32
      %mul3A_14 = arith.muli %scan3A_11, %mul3A_13 : i32
      %add3A_15 = arith.addi %mul3A_2, %mul3A_14 : i32
      "tpu.region"() ({
        %run_scoped3A = tpu.sem_alloc : memref<!tpu.dma_semaphore, #tpu.memory_space<semaphore_mem>>
        %dma_start3A = tpu.memref_slice %arg2[%add3A_15] : memref<1048576xf32, #tpu.memory_space<hbm>> -> memref<8192xf32, #tpu.memory_space<hbm>>
        %dma_start3A_22 = tpu.memref_slice %arg2[%add3A_15] : memref<1048576xf32, #tpu.memory_space<hbm>> -> memref<8192xf32, #tpu.memory_space<hbm>>
        tpu.enqueue_dma source(%dma_start3A_22 : memref<8192xf32, #tpu.memory_space<hbm>>) target(%arg5 : memref<8192xf32, #tpu.memory_space<vmem>>) target_semaphore(%run_scoped3A : memref<!tpu.dma_semaphore, #tpu.memory_space<semaphore_mem>>)
        %dma_wait3A = tpu.memref_slice %arg2[%add3A_15] : memref<1048576xf32, #tpu.memory_space<hbm>> -> memref<8192xf32, #tpu.memory_space<hbm>>
        %dma_wait3A_23 = tpu.memref_slice %arg2[%add3A_15] : memref<1048576xf32, #tpu.memory_space<hbm>> -> memref<8192xf32, #tpu.memory_space<hbm>>
        tpu.wait_dma2 semaphore(%run_scoped3A : memref<!tpu.dma_semaphore, #tpu.memory_space<semaphore_mem>>) src(%dma_wait3A_23 : memref<8192xf32, #tpu.memory_space<hbm>>) dst(%arg5 : memref<8192xf32, #tpu.memory_space<vmem>>)
        tpu.yield
      }) : () -> ()
      %scan3A_16 = arith.constant 0 : i32
      %scan3A_17 = arith.constant 512 : i32
      %scan3A_18 = arith.addi %scan3A_16, %scan3A_17 : i32
      %scan3A_19 = arith.constant 1 : i32
      %scan3A_20 = scf.for %scan3A_22 = %scan3A_16 to %scan3A_18 step %scan3A_19 iter_args(%scan3A_23 = %scan3A_12) -> (vector<16xi32>)  : i32 {
        %mul3A_24 = arith.constant 16 : i32
        %mul3A_25 = arith.muli %scan3A_22, %mul3A_24 : i32
        %get3A_26 = arith.index_cast %mul3A_25 : i32 to index
        %get3A_27 = tpu.vector_load %arg5[%get3A_26] {strides = array<i32>} : memref<8192xf32, #tpu.memory_space<vmem>>, vector<16xf32>,
        %gt3A = arith.cmpf ogt, %get3A_27, %get3A_3 : vector<16xf32>
        %all_reduce_population_count3A = tpu.all_reduce %gt3A {dim = 0 : i64, kind = #tpu.reduction_kind<sum>} : vector<16xi1> -> vector<16xi32>
        %add3A_28 = arith.addi %scan3A_23, %all_reduce_population_count3A : vector<16xi32>
        scf.yield %add3A_28 : vector<16xi32>
      }
      %scan3A_21 = arith.constant 512 : i32
      scf.yield %scan3A_20 : vector<16xi32>
    }
    %scan3A_9 = arith.constant 4 : i32
    %swap3A = arith.constant 0 : index
    %swap3A_10 = tpu.vector_load %arg7[%swap3A] {strides = array<i32>} : memref<16xi32, #tpu.memory_space<vmem>>, vector<16xi32>,
    tpu.vector_store %arg7[%swap3A], %scan3A_8 {strides = array<i32>} : memref<16xi32, #tpu.memory_space<vmem>>, vector<16xi32>,
    "tpu.region"() ({
      %run_scoped3A = tpu.sem_alloc : memref<!tpu.dma_semaphore, #tpu.memory_space<semaphore_mem>>
      %dma_start3A = arith.constant 0 : i32
      %dma_start3A_11 = tpu.memref_slice %arg4[%add3A, %dma_start3A] : memref<32x16xi32, #tpu.memory_space<hbm>> -> memref<1x16xi32, #tpu.memory_space<hbm>>
      %dma_start3A_12 = tpu.memref_squeeze %dma_start3A_11 : memref<1x16xi32, #tpu.memory_space<hbm>> -> memref<16xi32, #tpu.memory_space<hbm>>
      %dma_start3A_13 = arith.constant 0 : i32
      %dma_start3A_14 = tpu.memref_slice %arg4[%add3A, %dma_start3A_13] : memref<32x16xi32, #tpu.memory_space<hbm>> -> memref<1x16xi32, #tpu.memory_space<hbm>>
      %dma_start3A_15 = tpu.memref_squeeze %dma_start3A_14 : memref<1x16xi32, #tpu.memory_space<hbm>> -> memref<16xi32, #tpu.memory_space<hbm>>
      tpu.enqueue_dma source(%arg7 : memref<16xi32, #tpu.memory_space<vmem>>) target(%dma_start3A_15 : memref<16xi32, #tpu.memory_space<hbm>>) target_semaphore(%run_scoped3A : memref<!tpu.dma_semaphore, #tpu.memory_space<semaphore_mem>>)
      %dma_wait3A = arith.constant 0 : i32
      %dma_wait3A_16 = tpu.memref_slice %arg4[%add3A, %dma_wait3A] : memref<32x16xi32, #tpu.memory_space<hbm>> -> memref<1x16xi32, #tpu.memory_space<hbm>>
      %dma_wait3A_17 = tpu.memref_squeeze %dma_wait3A_16 : memref<1x16xi32, #tpu.memory_space<hbm>> -> memref<16xi32, #tpu.memory_space<hbm>>
      %dma_wait3A_18 = arith.constant 0 : i32
      %dma_wait3A_19 = tpu.memref_slice %arg4[%add3A, %dma_wait3A_18] : memref<32x16xi32, #tpu.memory_space<hbm>> -> memref<1x16xi32, #tpu.memory_space<hbm>>
      %dma_wait3A_20 = tpu.memref_squeeze %dma_wait3A_19 : memref<1x16xi32, #tpu.memory_space<hbm>> -> memref<16xi32, #tpu.memory_space<hbm>>
      tpu.wait_dma2 semaphore(%run_scoped3A : memref<!tpu.dma_semaphore, #tpu.memory_space<semaphore_mem>>) src(%arg7 : memref<16xi32, #tpu.memory_space<vmem>>) dst(%dma_wait3A_20 : memref<16xi32, #tpu.memory_space<hbm>>)
      tpu.yield
    }) : () -> ()
    return
  }
}

#map = affine_map<(d0, d1) -> (0)>
#map1 = affine_map<(d0, d1) -> (0, 0)>
module attributes {stable_mosaic.version = 14 : i64} {
  func.func @_k2_place(%arg0: i32, %arg1: i32, %arg2: memref<1048576xf32, #tpu.memory_space<hbm>>, %arg3: memref<1048576xf32, #tpu.memory_space<hbm>>, %arg4: memref<1048576xf32, #tpu.memory_space<hbm>>, %arg5: memref<1048608xf32, #tpu.memory_space<hbm>>, %arg6: memref<1048608xf32, #tpu.memory_space<hbm>>, %arg7: memref<16xf32, #tpu.memory_space<hbm>>, %arg8: memref<32x16xi32, #tpu.memory_space<hbm>>, %arg9: memref<1049088xf32, #tpu.memory_space<hbm>>, %arg10: memref<1049088xf32, #tpu.memory_space<hbm>>, %arg11: memref<32x16xi32, #tpu.memory_space<vmem>>, %arg12: memref<8192xf32, #tpu.memory_space<vmem>>, %arg13: memref<8192xf32, #tpu.memory_space<vmem>>, %arg14: memref<8192xf32, #tpu.memory_space<vmem>>, %arg15: memref<16xf32, #tpu.memory_space<vmem>>, %arg16: memref<36864xf32, #tpu.memory_space<vmem>>, %arg17: memref<36864xf32, #tpu.memory_space<vmem>>, %arg18: memref<16xf32, #tpu.memory_space<vmem>>, %arg19: memref<16xf32, #tpu.memory_space<vmem>>, %arg20: memref<17x128xi32, #tpu.memory_space<vmem>>, %arg21: memref<17x128xf32, #tpu.memory_space<vmem>>, %arg22: memref<17x128xf32, #tpu.memory_space<vmem>>, %arg23: memref<2064xf32, #tpu.memory_space<vmem>>, %arg24: memref<2064xf32, #tpu.memory_space<vmem>>, %arg25: memref<2048xf32, #tpu.memory_space<vmem>>, %arg26: memref<2048xf32, #tpu.memory_space<vmem>>, %arg27: memref<!tpu.dma_semaphore, #tpu.memory_space<semaphore_mem>>) attributes {dimension_semantics = [#tpu.dimension_semantics<core_parallel>, #tpu.dimension_semantics<subcore_parallel>], iteration_bounds = array<i64: 2, 16>, scalar_prefetch = 0 : i64, scratch_operands = 17 : i64, tpu.core_type = #tpu.core_type<sc_vector_subcore>, window_params = [{transform_indices = #map}, {transform_indices = #map}, {transform_indices = #map}, {transform_indices = #map}, {transform_indices = #map}, {transform_indices = #map}, {transform_indices = #map1}, {transform_indices = #map}, {transform_indices = #map}]} {
    %mul3A = arith.constant 2 : i32
    %mul3A_0 = arith.muli %arg1, %mul3A : i32
    %add3A = arith.addi %mul3A_0, %arg0 : i32
    %mul3A_1 = arith.constant 32768 : i32
    %mul3A_2 = arith.muli %add3A, %mul3A_1 : i32
    %iota3A = tpu.iota {dimensions = array<i32: 0>} : vector<16xi32>
    %broadcast_in_dim3A = arith.constant 0 : i32
    %broadcast_in_dim3A_3 = vector.broadcast %broadcast_in_dim3A : i32 to vector<16xi32>
    "tpu.region"() ({
      %run_scoped3A = tpu.sem_alloc : memref<!tpu.dma_semaphore, #tpu.memory_space<semaphore_mem>>
      tpu.enqueue_dma source(%arg7 : memref<16xf32, #tpu.memory_space<hbm>>) target(%arg15 : memref<16xf32, #tpu.memory_space<vmem>>) target_semaphore(%run_scoped3A : memref<!tpu.dma_semaphore, #tpu.memory_space<semaphore_mem>>)
      tpu.wait_dma2 semaphore(%run_scoped3A : memref<!tpu.dma_semaphore, #tpu.memory_space<semaphore_mem>>) src(%arg7 : memref<16xf32, #tpu.memory_space<hbm>>) dst(%arg15 : memref<16xf32, #tpu.memory_space<vmem>>)
      tpu.yield
    }) : () -> ()
    "tpu.region"() ({
      %run_scoped3A = tpu.sem_alloc : memref<!tpu.dma_semaphore, #tpu.memory_space<semaphore_mem>>
      tpu.enqueue_dma source(%arg8 : memref<32x16xi32, #tpu.memory_space<hbm>>) target(%arg11 : memref<32x16xi32, #tpu.memory_space<vmem>>) target_semaphore(%run_scoped3A : memref<!tpu.dma_semaphore, #tpu.memory_space<semaphore_mem>>)
      tpu.wait_dma2 semaphore(%run_scoped3A : memref<!tpu.dma_semaphore, #tpu.memory_space<semaphore_mem>>) src(%arg8 : memref<32x16xi32, #tpu.memory_space<hbm>>) dst(%arg11 : memref<32x16xi32, #tpu.memory_space<vmem>>)
      tpu.yield
    }) : () -> ()
    %get3A = arith.constant 0 : index
    %get3A_4 = tpu.vector_load %arg15[%get3A] {strides = array<i32>} : memref<16xf32, #tpu.memory_space<vmem>>, vector<16xf32>,
    %gather3A = tpu.vector_load_idx %arg11[%iota3A, %broadcast_in_dim3A_3] : memref<32x16xi32, #tpu.memory_space<vmem>>[vector<16xi32>, vector<16xi32>], vector<16xi32>,
    %add3A_5 = arith.constant 16 : i32
    %add3A_6 = vector.broadcast %add3A_5 : i32 to vector<16xi32>
    %add3A_7 = arith.addi %iota3A, %add3A_6 : vector<16xi32>
    %gather3A_8 = tpu.vector_load_idx %arg11[%add3A_7, %broadcast_in_dim3A_3] : memref<32x16xi32, #tpu.memory_space<vmem>>[vector<16xi32>, vector<16xi32>], vector<16xi32>,
    %broadcast_in_dim3A_9 = arith.constant true
    %broadcast_in_dim3A_10 = vector.broadcast %broadcast_in_dim3A_9 : i1 to vector<16xi1>
    %masked_cumsum3A = tpu.scan <sum>, %gather3A masked %broadcast_in_dim3A_10 : vector<16xi32>, vector<16xi1> -> vector<16xi32>
    %broadcast_in_dim3A_11 = arith.constant true
    %broadcast_in_dim3A_12 = vector.broadcast %broadcast_in_dim3A_11 : i1 to vector<16xi1>
    %masked_cumsum3A_13 = tpu.scan <sum>, %gather3A_8 masked %broadcast_in_dim3A_12 : vector<16xi32>, vector<16xi1> -> vector<16xi32>
    %reduce_max3A = arith.constant true
    %reduce_max3A_14 = vector.broadcast %reduce_max3A : i1 to vector<16xi1>
    %reduce_max3A_15 = arith.constant -2147483648 : i32
    %reduce_max3A_16 = vector.broadcast %reduce_max3A_15 : i32 to vector<16xi32>
    %reduce_max3A_17 = arith.xori %masked_cumsum3A, %reduce_max3A_16 : vector<16xi32>
    %reduce_max3A_18 = tpu.scan <max>, %reduce_max3A_17 masked %reduce_max3A_14 : vector<16xi32>, vector<16xi1> -> vector<16xi32>
    %reduce_max3A_19 = arith.xori %reduce_max3A_18, %reduce_max3A_16 : vector<16xi32>
    %reduce_max3A_20 = vector.extract %reduce_max3A_19[15] : i32 from vector<16xi32>
    %reduce_max3A_21 = arith.constant true
    %reduce_max3A_22 = vector.broadcast %reduce_max3A_21 : i1 to vector<16xi1>
    %reduce_max3A_23 = arith.constant -2147483648 : i32
    %reduce_max3A_24 = vector.broadcast %reduce_max3A_23 : i32 to vector<16xi32>
    %reduce_max3A_25 = arith.xori %masked_cumsum3A_13, %reduce_max3A_24 : vector<16xi32>
    %reduce_max3A_26 = tpu.scan <max>, %reduce_max3A_25 masked %reduce_max3A_22 : vector<16xi32>, vector<16xi1> -> vector<16xi32>
    %reduce_max3A_27 = arith.xori %reduce_max3A_26, %reduce_max3A_24 : vector<16xi32>
    %reduce_max3A_28 = vector.extract %reduce_max3A_27[15] : i32 from vector<16xi32>
    %add3A_29 = arith.addi %reduce_max3A_20, %reduce_max3A_28 : i32
    %sub3A = arith.subi %masked_cumsum3A, %gather3A : vector<16xi32>
    %sub3A_30 = arith.subi %masked_cumsum3A_13, %gather3A_8 : vector<16xi32>
    %add3A_31 = vector.broadcast %reduce_max3A_20 : i32 to vector<16xi32>
    %add3A_32 = arith.addi %sub3A_30, %add3A_31 : vector<16xi32>
    %lt3A = arith.constant 16 : i32
    %lt3A_33 = arith.cmpi slt, %add3A, %lt3A : i32
    %sub3A_34 = arith.constant 16 : i32
    %sub3A_35 = arith.subi %add3A, %sub3A_34 : i32
    %select_n3A = arith.select %lt3A_33, %add3A, %sub3A_35 : i32
    %lt3A_36 = arith.constant 16 : i32
    %lt3A_37 = arith.cmpi slt, %add3A, %lt3A_36 : i32
    %select_n3A_38 = arith.select %lt3A_37, %sub3A, %add3A_32 : vector<16xi32>
    %lt3A_39 = arith.constant 16 : i32
    %lt3A_40 = arith.cmpi slt, %add3A, %lt3A_39 : i32
    %select_n3A_41 = arith.select %lt3A_40, %gather3A, %gather3A_8 : vector<16xi32>
    %eq3A = vector.broadcast %select_n3A : i32 to vector<16xi32>
    %eq3A_42 = arith.cmpi eq, %iota3A, %eq3A : vector<16xi32>
    %jit3A = arith.constant 0 : i32
    %broadcast_in_dim3A_43 = vector.broadcast %jit3A : i32 to vector<16xi32>
    %select_n3A_44 = arith.select %eq3A_42, %select_n3A_38, %broadcast_in_dim3A_43 : vector<16xi1>, vector<16xi32>
    %reduce_sum3A = arith.constant true
    %reduce_sum3A_45 = vector.broadcast %reduce_sum3A : i1 to vector<16xi1>
    %reduce_sum3A_46 = tpu.scan <sum>, %select_n3A_44 masked %reduce_sum3A_45 : vector<16xi32>, vector<16xi1> -> vector<16xi32>
    %reduce_sum3A_47 = vector.extract %reduce_sum3A_46[15] : i32 from vector<16xi32>
    %eq3A_48 = vector.broadcast %select_n3A : i32 to vector<16xi32>
    %eq3A_49 = arith.cmpi eq, %iota3A, %eq3A_48 : vector<16xi32>
    %jit3A_50 = arith.constant 0 : i32
    %broadcast_in_dim3A_51 = vector.broadcast %jit3A_50 : i32 to vector<16xi32>
    %select_n3A_52 = arith.select %eq3A_49, %select_n3A_41, %broadcast_in_dim3A_51 : vector<16xi1>, vector<16xi32>
    %reduce_sum3A_53 = arith.constant true
    %reduce_sum3A_54 = vector.broadcast %reduce_sum3A_53 : i1 to vector<16xi1>
    %reduce_sum3A_55 = tpu.scan <sum>, %select_n3A_52 masked %reduce_sum3A_54 : vector<16xi32>, vector<16xi1> -> vector<16xi32>
    %reduce_sum3A_56 = vector.extract %reduce_sum3A_55[15] : i32 from vector<16xi32>
    %jit3A_57 = arith.constant 8 : i32
    %eq3A_58 = arith.constant 0 : i32
    %eq3A_59 = arith.cmpi eq, %jit3A_57, %eq3A_58 : i32
    %jit3A_60 = arith.constant 1 : i32
    %select_n3A_61 = arith.select %eq3A_59, %jit3A_60, %jit3A_57 : i32
    %rem3A = arith.remsi %reduce_sum3A_47, %select_n3A_61 : i32
    %ne3A = arith.constant 0 : i32
    %ne3A_62 = arith.cmpi ne, %rem3A, %ne3A : i32
    %lt3A_63 = arith.constant 0 : i32
    %lt3A_64 = arith.cmpi slt, %rem3A, %lt3A_63 : i32
    %lt3A_65 = arith.constant 0 : i32
    %lt3A_66 = arith.cmpi slt, %select_n3A_61, %lt3A_65 : i32
    %ne3A_67 = arith.xori %lt3A_64, %lt3A_66 : i1
    %and3A = arith.andi %ne3A_67, %ne3A_62 : i1
    %add3A_68 = arith.addi %rem3A, %select_n3A_61 : i32
    %select_n3A_69 = arith.select %and3A, %add3A_68, %rem3A : i32
    %sub3A_70 = arith.constant 8 : i32
    %sub3A_71 = arith.subi %sub3A_70, %select_n3A_69 : i32
    %jit3A_72 = arith.constant 8 : i32
    %eq3A_73 = arith.constant 0 : i32
    %eq3A_74 = arith.cmpi eq, %jit3A_72, %eq3A_73 : i32
    %jit3A_75 = arith.constant 1 : i32
    %select_n3A_76 = arith.select %eq3A_74, %jit3A_75, %jit3A_72 : i32
    %rem3A_77 = arith.remsi %sub3A_71, %select_n3A_76 : i32
    %ne3A_78 = arith.constant 0 : i32
    %ne3A_79 = arith.cmpi ne, %rem3A_77, %ne3A_78 : i32
    %lt3A_80 = arith.constant 0 : i32
    %lt3A_81 = arith.cmpi slt, %rem3A_77, %lt3A_80 : i32
    %lt3A_82 = arith.constant 0 : i32
    %lt3A_83 = arith.cmpi slt, %select_n3A_76, %lt3A_82 : i32
    %ne3A_84 = arith.xori %lt3A_81, %lt3A_83 : i1
    %and3A_85 = arith.andi %ne3A_84, %ne3A_79 : i1
    %add3A_86 = arith.addi %rem3A_77, %select_n3A_76 : i32
    %select_n3A_87 = arith.select %and3A_85, %add3A_86, %rem3A_77 : i32
    %mul3A_88 = arith.constant 16 : i32
    %mul3A_89 = arith.muli %add3A, %mul3A_88 : i32
    %add3A_90 = arith.constant 1048576 : i32
    %add3A_91 = arith.addi %add3A_90, %mul3A_89 : i32
    %add3A_92 = arith.addi %reduce_sum3A_47, %select_n3A_87 : i32
    %broadcast_in_dim3A_93 = arith.constant 0 : i32
    %broadcast_in_dim3A_94 = vector.broadcast %broadcast_in_dim3A_93 : i32 to vector<16xi32>
    %scan3A = arith.constant 0 : i32
    %scan3A_95 = arith.constant 4 : i32
    %scan3A_96 = arith.addi %scan3A, %scan3A_95 : i32
    %scan3A_97 = arith.constant 1 : i32
    %scan3A_98 = scf.for %scan3A_246 = %scan3A to %scan3A_96 step %scan3A_97 iter_args(%scan3A_247 = %broadcast_in_dim3A_94) -> (vector<16xi32>)  : i32 {
      %mul3A_248 = arith.constant 8192 : i32
      %mul3A_249 = arith.muli %scan3A_246, %mul3A_248 : i32
      %add3A_250 = arith.addi %mul3A_2, %mul3A_249 : i32
      "tpu.region"() ({
        %run_scoped3A = tpu.sem_alloc : memref<!tpu.dma_semaphore, #tpu.memory_space<semaphore_mem>>
        %dma_start3A_263 = tpu.memref_slice %arg2[%add3A_250] : memref<1048576xf32, #tpu.memory_space<hbm>> -> memref<8192xf32, #tpu.memory_space<hbm>>
        %dma_start3A_264 = tpu.memref_slice %arg2[%add3A_250] : memref<1048576xf32, #tpu.memory_space<hbm>> -> memref<8192xf32, #tpu.memory_space<hbm>>
        tpu.enqueue_dma source(%dma_start3A_264 : memref<8192xf32, #tpu.memory_space<hbm>>) target(%arg12 : memref<8192xf32, #tpu.memory_space<vmem>>) target_semaphore(%run_scoped3A : memref<!tpu.dma_semaphore, #tpu.memory_space<semaphore_mem>>)
        %dma_wait3A_265 = tpu.memref_slice %arg2[%add3A_250] : memref<1048576xf32, #tpu.memory_space<hbm>> -> memref<8192xf32, #tpu.memory_space<hbm>>
        %dma_wait3A_266 = tpu.memref_slice %arg2[%add3A_250] : memref<1048576xf32, #tpu.memory_space<hbm>> -> memref<8192xf32, #tpu.memory_space<hbm>>
        tpu.wait_dma2 semaphore(%run_scoped3A : memref<!tpu.dma_semaphore, #tpu.memory_space<semaphore_mem>>) src(%dma_wait3A_266 : memref<8192xf32, #tpu.memory_space<hbm>>) dst(%arg12 : memref<8192xf32, #tpu.memory_space<vmem>>)
        tpu.yield
      }) : () -> ()
      %mul3A_251 = arith.constant 8192 : i32
      %mul3A_252 = arith.muli %scan3A_246, %mul3A_251 : i32
      %add3A_253 = arith.addi %mul3A_2, %mul3A_252 : i32
      "tpu.region"() ({
        %run_scoped3A = tpu.sem_alloc : memref<!tpu.dma_semaphore, #tpu.memory_space<semaphore_mem>>
        %dma_start3A_263 = tpu.memref_slice %arg3[%add3A_253] : memref<1048576xf32, #tpu.memory_space<hbm>> -> memref<8192xf32, #tpu.memory_space<hbm>>
        %dma_start3A_264 = tpu.memref_slice %arg3[%add3A_253] : memref<1048576xf32, #tpu.memory_space<hbm>> -> memref<8192xf32, #tpu.memory_space<hbm>>
        tpu.enqueue_dma source(%dma_start3A_264 : memref<8192xf32, #tpu.memory_space<hbm>>) target(%arg13 : memref<8192xf32, #tpu.memory_space<vmem>>) target_semaphore(%run_scoped3A : memref<!tpu.dma_semaphore, #tpu.memory_space<semaphore_mem>>)
        %dma_wait3A_265 = tpu.memref_slice %arg3[%add3A_253] : memref<1048576xf32, #tpu.memory_space<hbm>> -> memref<8192xf32, #tpu.memory_space<hbm>>
        %dma_wait3A_266 = tpu.memref_slice %arg3[%add3A_253] : memref<1048576xf32, #tpu.memory_space<hbm>> -> memref<8192xf32, #tpu.memory_space<hbm>>
        tpu.wait_dma2 semaphore(%run_scoped3A : memref<!tpu.dma_semaphore, #tpu.memory_space<semaphore_mem>>) src(%dma_wait3A_266 : memref<8192xf32, #tpu.memory_space<hbm>>) dst(%arg13 : memref<8192xf32, #tpu.memory_space<vmem>>)
        tpu.yield
      }) : () -> ()
      %mul3A_254 = arith.constant 8192 : i32
      %mul3A_255 = arith.muli %scan3A_246, %mul3A_254 : i32
      %add3A_256 = arith.addi %mul3A_2, %mul3A_255 : i32
      "tpu.region"() ({
        %run_scoped3A = tpu.sem_alloc : memref<!tpu.dma_semaphore, #tpu.memory_space<semaphore_mem>>
        %dma_start3A_263 = tpu.memref_slice %arg4[%add3A_256] : memref<1048576xf32, #tpu.memory_space<hbm>> -> memref<8192xf32, #tpu.memory_space<hbm>>
        %dma_start3A_264 = tpu.memref_slice %arg4[%add3A_256] : memref<1048576xf32, #tpu.memory_space<hbm>> -> memref<8192xf32, #tpu.memory_space<hbm>>
        tpu.enqueue_dma source(%dma_start3A_264 : memref<8192xf32, #tpu.memory_space<hbm>>) target(%arg14 : memref<8192xf32, #tpu.memory_space<vmem>>) target_semaphore(%run_scoped3A : memref<!tpu.dma_semaphore, #tpu.memory_space<semaphore_mem>>)
        %dma_wait3A_265 = tpu.memref_slice %arg4[%add3A_256] : memref<1048576xf32, #tpu.memory_space<hbm>> -> memref<8192xf32, #tpu.memory_space<hbm>>
        %dma_wait3A_266 = tpu.memref_slice %arg4[%add3A_256] : memref<1048576xf32, #tpu.memory_space<hbm>> -> memref<8192xf32, #tpu.memory_space<hbm>>
        tpu.wait_dma2 semaphore(%run_scoped3A : memref<!tpu.dma_semaphore, #tpu.memory_space<semaphore_mem>>) src(%dma_wait3A_266 : memref<8192xf32, #tpu.memory_space<hbm>>) dst(%arg14 : memref<8192xf32, #tpu.memory_space<vmem>>)
        tpu.yield
      }) : () -> ()
      %scan3A_257 = arith.constant 0 : i32
      %scan3A_258 = arith.constant 512 : i32
      %scan3A_259 = arith.addi %scan3A_257, %scan3A_258 : i32
      %scan3A_260 = arith.constant 1 : i32
      %scan3A_261 = scf.for %scan3A_263 = %scan3A_257 to %scan3A_259 step %scan3A_260 iter_args(%scan3A_264 = %scan3A_247) -> (vector<16xi32>)  : i32 {
        %mul3A_265 = arith.constant 16 : i32
        %mul3A_266 = arith.muli %scan3A_263, %mul3A_265 : i32
        %get3A_267 = arith.index_cast %mul3A_266 : i32 to index
        %get3A_268 = tpu.vector_load %arg12[%get3A_267] {strides = array<i32>} : memref<8192xf32, #tpu.memory_space<vmem>>, vector<16xf32>,
        %gt3A = arith.cmpf ogt, %get3A_268, %get3A_4 : vector<16xf32>
        %get3A_269 = arith.index_cast %mul3A_266 : i32 to index
        %get3A_270 = tpu.vector_load %arg13[%get3A_269] {strides = array<i32>} : memref<8192xf32, #tpu.memory_space<vmem>>, vector<16xf32>,
        %get3A_271 = arith.index_cast %mul3A_266 : i32 to index
        %get3A_272 = tpu.vector_load %arg14[%get3A_271] {strides = array<i32>} : memref<8192xf32, #tpu.memory_space<vmem>>, vector<16xf32>,
        %convert_element_type3A = arith.extui %gt3A : vector<16xi1> to vector<16xi32>
        %broadcast_in_dim3A_273 = arith.constant true
        %broadcast_in_dim3A_274 = vector.broadcast %broadcast_in_dim3A_273 : i1 to vector<16xi1>
        %masked_cumsum3A_275 = tpu.scan <sum>, %convert_element_type3A masked %broadcast_in_dim3A_274 : vector<16xi32>, vector<16xi1> -> vector<16xi32>
        %add3A_276 = arith.addi %scan3A_264, %masked_cumsum3A_275 : vector<16xi32>
        %sub3A_277 = arith.constant 1 : i32
        %sub3A_278 = vector.broadcast %sub3A_277 : i32 to vector<16xi32>
        %sub3A_279 = arith.subi %add3A_276, %sub3A_278 : vector<16xi32>
        %sub3A_280 = vector.broadcast %select_n3A_87 : i32 to vector<16xi32>
        %sub3A_281 = arith.subi %sub3A_279, %sub3A_280 : vector<16xi32>
        %ge3A = arith.constant 0 : i32
        %ge3A_282 = vector.broadcast %ge3A : i32 to vector<16xi32>
        %ge3A_283 = arith.cmpi sge, %sub3A_281, %ge3A_282 : vector<16xi32>
        %and3A_284 = arith.andi %gt3A, %ge3A_283 : vector<16xi1>
        %lt3A_285 = arith.constant 0 : i32
        %lt3A_286 = vector.broadcast %lt3A_285 : i32 to vector<16xi32>
        %lt3A_287 = arith.cmpi slt, %sub3A_281, %lt3A_286 : vector<16xi32>
        %and3A_288 = arith.andi %gt3A, %lt3A_287 : vector<16xi1>
        tpu.vector_store_idx %arg16[%sub3A_281], %get3A_270 masked %and3A_284 : memref<36864xf32, #tpu.memory_space<vmem>>[vector<16xi32>], vector<16xf32>, vector<16xi1>
        tpu.vector_store_idx %arg17[%sub3A_281], %get3A_272 masked %and3A_284 : memref<36864xf32, #tpu.memory_space<vmem>>[vector<16xi32>], vector<16xf32>, vector<16xi1>
        %add3A_289 = vector.broadcast %select_n3A_87 : i32 to vector<16xi32>
        %add3A_290 = arith.addi %sub3A_281, %add3A_289 : vector<16xi32>
        tpu.vector_store_idx %arg18[%add3A_290], %get3A_270 masked %and3A_288 : memref<16xf32, #tpu.memory_space<vmem>>[vector<16xi32>], vector<16xf32>, vector<16xi1>
        %add3A_291 = vector.broadcast %select_n3A_87 : i32 to vector<16xi32>
        %add3A_292 = arith.addi %sub3A_281, %add3A_291 : vector<16xi32>
        tpu.vector_store_idx %arg19[%add3A_292], %get3A_272 masked %and3A_288 : memref<16xf32, #tpu.memory_space<vmem>>[vector<16xi32>], vector<16xf32>, vector<16xi1>
        %all_reduce_population_count3A = tpu.all_reduce %gt3A {dim = 0 : i64, kind = #tpu.reduction_kind<sum>} : vector<16xi1> -> vector<16xi32>
        %add3A_293 = arith.addi %scan3A_264, %all_reduce_population_count3A : vector<16xi32>
        scf.yield %add3A_293 : vector<16xi32>
      }
      %scan3A_262 = arith.constant 512 : i32
      scf.yield %scan3A_261 : vector<16xi32>
    }
    %scan3A_99 = arith.constant 4 : i32
    %sub3A_100 = arith.subi %reduce_sum3A_56, %select_n3A_87 : i32
    %max3A = arith.constant 0 : i32
    %max3A_101 = arith.maxsi %sub3A_100, %max3A : i32
    %jit3A_102 = arith.constant 2048 : i32
    %div3A = arith.divsi %max3A_101, %jit3A_102 : i32
    %sign3A = arith.constant 0 : i32
    %sign3A_103 = arith.cmpi sgt, %max3A_101, %sign3A : i32
    %sign3A_104 = arith.extui %sign3A_103 : i1 to i32
    %sign3A_105 = arith.constant 0 : i32
    %sign3A_106 = arith.cmpi slt, %max3A_101, %sign3A_105 : i32
    %sign3A_107 = arith.extui %sign3A_106 : i1 to i32
    %sign3A_108 = arith.subi %sign3A_104, %sign3A_107 : i32
    %sign3A_109 = arith.constant 0 : i32
    %sign3A_110 = arith.cmpi sgt, %jit3A_102, %sign3A_109 : i32
    %sign3A_111 = arith.extui %sign3A_110 : i1 to i32
    %sign3A_112 = arith.constant 0 : i32
    %sign3A_113 = arith.cmpi slt, %jit3A_102, %sign3A_112 : i32
    %sign3A_114 = arith.extui %sign3A_113 : i1 to i32
    %sign3A_115 = arith.subi %sign3A_111, %sign3A_114 : i32
    %ne3A_116 = arith.cmpi ne, %sign3A_108, %sign3A_115 : i32
    %rem3A_117 = arith.remsi %max3A_101, %jit3A_102 : i32
    %ne3A_118 = arith.constant 0 : i32
    %ne3A_119 = arith.cmpi ne, %rem3A_117, %ne3A_118 : i32
    %and3A_120 = arith.andi %ne3A_116, %ne3A_119 : i1
    %sub3A_121 = arith.constant 1 : i32
    %sub3A_122 = arith.subi %div3A, %sub3A_121 : i32
    %select_n3A_123 = arith.select %and3A_120, %sub3A_122, %div3A : i32
    %while3A = arith.constant 0 : i32
    %while3A_124 = arith.constant 0 : i32
    %while3A_125 = arith.subi %select_n3A_123, %while3A : i32
    %while3A_126 = arith.addi %while3A, %while3A_125 : i32
    %while3A_127 = arith.constant 1 : i32
    %while3A_128 = arith.divsi %while3A_125, %while3A_127 : i32
    %while3A_129 = arith.muli %while3A_128, %while3A_127 : i32
    %while3A_130 = arith.addi %while3A, %while3A_129 : i32
    %while3A_131 = arith.constant 1 : i32
    %while3A_132 = scf.for %while3A_246 = %while3A to %while3A_130 step %while3A_131 iter_args(%while3A_247 = %while3A_124) -> (i32)  : i32 {
      %mul3A_248 = arith.constant 2048 : i32
      %mul3A_249 = arith.muli %while3A_246, %mul3A_248 : i32
      %add3A_250 = arith.addi %add3A_92, %mul3A_249 : i32
      %multiple_of3A = tpu.assume_multiple %add3A_250, 8 : i32
      %mul3A_251 = arith.constant 2048 : i32
      %mul3A_252 = arith.muli %while3A_246, %mul3A_251 : i32
      %dma_start3A_253 = tpu.memref_slice %arg16[%mul3A_252] : memref<36864xf32, #tpu.memory_space<vmem>> -> memref<2048xf32, #tpu.memory_space<vmem>>
      %dma_start3A_254 = tpu.memref_slice %arg9[%multiple_of3A] : memref<1049088xf32, #tpu.memory_space<hbm>> -> memref<2048xf32, #tpu.memory_space<hbm>>
      %dma_start3A_255 = tpu.memref_slice %arg9[%multiple_of3A] : memref<1049088xf32, #tpu.memory_space<hbm>> -> memref<2048xf32, #tpu.memory_space<hbm>>
      %dma_start3A_256 = tpu.memref_slice %arg16[%mul3A_252] : memref<36864xf32, #tpu.memory_space<vmem>> -> memref<2048xf32, #tpu.memory_space<vmem>>
      tpu.enqueue_dma source(%dma_start3A_256 : memref<2048xf32, #tpu.memory_space<vmem>>) target(%dma_start3A_255 : memref<2048xf32, #tpu.memory_space<hbm>>) target_semaphore(%arg27 : memref<!tpu.dma_semaphore, #tpu.memory_space<semaphore_mem>>)
      %mul3A_257 = arith.constant 2048 : i32
      %mul3A_258 = arith.muli %while3A_246, %mul3A_257 : i32
      %dma_start3A_259 = tpu.memref_slice %arg17[%mul3A_258] : memref<36864xf32, #tpu.memory_space<vmem>> -> memref<2048xf32, #tpu.memory_space<vmem>>
      %dma_start3A_260 = tpu.memref_slice %arg10[%multiple_of3A] : memref<1049088xf32, #tpu.memory_space<hbm>> -> memref<2048xf32, #tpu.memory_space<hbm>>
      %dma_start3A_261 = tpu.memref_slice %arg10[%multiple_of3A] : memref<1049088xf32, #tpu.memory_space<hbm>> -> memref<2048xf32, #tpu.memory_space<hbm>>
      %dma_start3A_262 = tpu.memref_slice %arg17[%mul3A_258] : memref<36864xf32, #tpu.memory_space<vmem>> -> memref<2048xf32, #tpu.memory_space<vmem>>
      tpu.enqueue_dma source(%dma_start3A_262 : memref<2048xf32, #tpu.memory_space<vmem>>) target(%dma_start3A_261 : memref<2048xf32, #tpu.memory_space<hbm>>) target_semaphore(%arg27 : memref<!tpu.dma_semaphore, #tpu.memory_space<semaphore_mem>>)
      %dma_wait3A_263 = tpu.memref_slice %arg16[%mul3A_252] : memref<36864xf32, #tpu.memory_space<vmem>> -> memref<2048xf32, #tpu.memory_space<vmem>>
      %dma_wait3A_264 = tpu.memref_slice %arg9[%multiple_of3A] : memref<1049088xf32, #tpu.memory_space<hbm>> -> memref<2048xf32, #tpu.memory_space<hbm>>
      %dma_wait3A_265 = tpu.memref_slice %arg9[%multiple_of3A] : memref<1049088xf32, #tpu.memory_space<hbm>> -> memref<2048xf32, #tpu.memory_space<hbm>>
      %dma_wait3A_266 = tpu.memref_slice %arg16[%mul3A_252] : memref<36864xf32, #tpu.memory_space<vmem>> -> memref<2048xf32, #tpu.memory_space<vmem>>
      tpu.wait_dma2 semaphore(%arg27 : memref<!tpu.dma_semaphore, #tpu.memory_space<semaphore_mem>>) src(%dma_wait3A_266 : memref<2048xf32, #tpu.memory_space<vmem>>) dst(%dma_wait3A_265 : memref<2048xf32, #tpu.memory_space<hbm>>)
      %dma_wait3A_267 = tpu.memref_slice %arg17[%mul3A_258] : memref<36864xf32, #tpu.memory_space<vmem>> -> memref<2048xf32, #tpu.memory_space<vmem>>
      %dma_wait3A_268 = tpu.memref_slice %arg10[%multiple_of3A] : memref<1049088xf32, #tpu.memory_space<hbm>> -> memref<2048xf32, #tpu.memory_space<hbm>>
      %dma_wait3A_269 = tpu.memref_slice %arg10[%multiple_of3A] : memref<1049088xf32, #tpu.memory_space<hbm>> -> memref<2048xf32, #tpu.memory_space<hbm>>
      %dma_wait3A_270 = tpu.memref_slice %arg17[%mul3A_258] : memref<36864xf32, #tpu.memory_space<vmem>> -> memref<2048xf32, #tpu.memory_space<vmem>>
      tpu.wait_dma2 semaphore(%arg27 : memref<!tpu.dma_semaphore, #tpu.memory_space<semaphore_mem>>) src(%dma_wait3A_270 : memref<2048xf32, #tpu.memory_space<vmem>>) dst(%dma_wait3A_269 : memref<2048xf32, #tpu.memory_space<hbm>>)
      %while3A_271 = arith.constant 0 : i32
      scf.yield %while3A_271 : i32
    }
    %while3A_133 = arith.constant 1 : i32
    %while3A_134 = scf.for %while3A_246 = %while3A_130 to %while3A_126 step %while3A_133 iter_args(%while3A_247 = %while3A_132) -> (i32)  : i32 {
      %mul3A_248 = arith.constant 2048 : i32
      %mul3A_249 = arith.muli %while3A_246, %mul3A_248 : i32
      %add3A_250 = arith.addi %add3A_92, %mul3A_249 : i32
      %multiple_of3A = tpu.assume_multiple %add3A_250, 8 : i32
      %mul3A_251 = arith.constant 2048 : i32
      %mul3A_252 = arith.muli %while3A_246, %mul3A_251 : i32
      %dma_start3A_253 = tpu.memref_slice %arg16[%mul3A_252] : memref<36864xf32, #tpu.memory_space<vmem>> -> memref<2048xf32, #tpu.memory_space<vmem>>
      %dma_start3A_254 = tpu.memref_slice %arg9[%multiple_of3A] : memref<1049088xf32, #tpu.memory_space<hbm>> -> memref<2048xf32, #tpu.memory_space<hbm>>
      %dma_start3A_255 = tpu.memref_slice %arg9[%multiple_of3A] : memref<1049088xf32, #tpu.memory_space<hbm>> -> memref<2048xf32, #tpu.memory_space<hbm>>
      %dma_start3A_256 = tpu.memref_slice %arg16[%mul3A_252] : memref<36864xf32, #tpu.memory_space<vmem>> -> memref<2048xf32, #tpu.memory_space<vmem>>
      tpu.enqueue_dma source(%dma_start3A_256 : memref<2048xf32, #tpu.memory_space<vmem>>) target(%dma_start3A_255 : memref<2048xf32, #tpu.memory_space<hbm>>) target_semaphore(%arg27 : memref<!tpu.dma_semaphore, #tpu.memory_space<semaphore_mem>>)
      %mul3A_257 = arith.constant 2048 : i32
      %mul3A_258 = arith.muli %while3A_246, %mul3A_257 : i32
      %dma_start3A_259 = tpu.memref_slice %arg17[%mul3A_258] : memref<36864xf32, #tpu.memory_space<vmem>> -> memref<2048xf32, #tpu.memory_space<vmem>>
      %dma_start3A_260 = tpu.memref_slice %arg10[%multiple_of3A] : memref<1049088xf32, #tpu.memory_space<hbm>> -> memref<2048xf32, #tpu.memory_space<hbm>>
      %dma_start3A_261 = tpu.memref_slice %arg10[%multiple_of3A] : memref<1049088xf32, #tpu.memory_space<hbm>> -> memref<2048xf32, #tpu.memory_space<hbm>>
      %dma_start3A_262 = tpu.memref_slice %arg17[%mul3A_258] : memref<36864xf32, #tpu.memory_space<vmem>> -> memref<2048xf32, #tpu.memory_space<vmem>>
      tpu.enqueue_dma source(%dma_start3A_262 : memref<2048xf32, #tpu.memory_space<vmem>>) target(%dma_start3A_261 : memref<2048xf32, #tpu.memory_space<hbm>>) target_semaphore(%arg27 : memref<!tpu.dma_semaphore, #tpu.memory_space<semaphore_mem>>)
      %dma_wait3A_263 = tpu.memref_slice %arg16[%mul3A_252] : memref<36864xf32, #tpu.memory_space<vmem>> -> memref<2048xf32, #tpu.memory_space<vmem>>
      %dma_wait3A_264 = tpu.memref_slice %arg9[%multiple_of3A] : memref<1049088xf32, #tpu.memory_space<hbm>> -> memref<2048xf32, #tpu.memory_space<hbm>>
      %dma_wait3A_265 = tpu.memref_slice %arg9[%multiple_of3A] : memref<1049088xf32, #tpu.memory_space<hbm>> -> memref<2048xf32, #tpu.memory_space<hbm>>
      %dma_wait3A_266 = tpu.memref_slice %arg16[%mul3A_252] : memref<36864xf32, #tpu.memory_space<vmem>> -> memref<2048xf32, #tpu.memory_space<vmem>>
      tpu.wait_dma2 semaphore(%arg27 : memref<!tpu.dma_semaphore, #tpu.memory_space<semaphore_mem>>) src(%dma_wait3A_266 : memref<2048xf32, #tpu.memory_space<vmem>>) dst(%dma_wait3A_265 : memref<2048xf32, #tpu.memory_space<hbm>>)
      %dma_wait3A_267 = tpu.memref_slice %arg17[%mul3A_258] : memref<36864xf32, #tpu.memory_space<vmem>> -> memref<2048xf32, #tpu.memory_space<vmem>>
      %dma_wait3A_268 = tpu.memref_slice %arg10[%multiple_of3A] : memref<1049088xf32, #tpu.memory_space<hbm>> -> memref<2048xf32, #tpu.memory_space<hbm>>
      %dma_wait3A_269 = tpu.memref_slice %arg10[%multiple_of3A] : memref<1049088xf32, #tpu.memory_space<hbm>> -> memref<2048xf32, #tpu.memory_space<hbm>>
      %dma_wait3A_270 = tpu.memref_slice %arg17[%mul3A_258] : memref<36864xf32, #tpu.memory_space<vmem>> -> memref<2048xf32, #tpu.memory_space<vmem>>
      tpu.wait_dma2 semaphore(%arg27 : memref<!tpu.dma_semaphore, #tpu.memory_space<semaphore_mem>>) src(%dma_wait3A_270 : memref<2048xf32, #tpu.memory_space<vmem>>) dst(%dma_wait3A_269 : memref<2048xf32, #tpu.memory_space<hbm>>)
      %while3A_271 = arith.constant 0 : i32
      scf.yield %while3A_271 : i32
    }
    %min3A = arith.minsi %select_n3A_87, %reduce_sum3A_56 : i32
    %lt3A_135 = vector.broadcast %min3A : i32 to vector<16xi32>
    %lt3A_136 = arith.cmpi slt, %iota3A, %lt3A_135 : vector<16xi32>
    %add3A_137 = vector.broadcast %reduce_sum3A_47 : i32 to vector<16xi32>
    %add3A_138 = arith.addi %add3A_137, %iota3A : vector<16xi32>
    %add3A_139 = vector.broadcast %add3A_91 : i32 to vector<16xi32>
    %add3A_140 = arith.addi %add3A_139, %iota3A : vector<16xi32>
    %select_n3A_141 = arith.select %lt3A_136, %add3A_138, %add3A_140 : vector<16xi1>, vector<16xi32>
    %swap3A = arith.constant 0 : i32
    %swap3A_142 = arith.index_cast %swap3A : i32 to index
    %swap3A_143 = arith.constant 0 : index
    %swap3A_144 = tpu.vector_load %arg20[%swap3A_142, %swap3A_143] {strides = array<i32>} : memref<17x128xi32, #tpu.memory_space<vmem>>, vector<16xi32>,
    tpu.vector_store %arg20[%swap3A_142, %swap3A_143], %select_n3A_141 {strides = array<i32>} : memref<17x128xi32, #tpu.memory_space<vmem>>, vector<16xi32>,
    %get3A_145 = arith.constant 0 : index
    %get3A_146 = tpu.vector_load %arg18[%get3A_145] {strides = array<i32>} : memref<16xf32, #tpu.memory_space<vmem>>, vector<16xf32>,
    %swap3A_147 = arith.constant 0 : i32
    %swap3A_148 = arith.index_cast %swap3A_147 : i32 to index
    %swap3A_149 = arith.constant 0 : index
    %swap3A_150 = tpu.vector_load %arg21[%swap3A_148, %swap3A_149] {strides = array<i32>} : memref<17x128xf32, #tpu.memory_space<vmem>>, vector<16xf32>,
    tpu.vector_store %arg21[%swap3A_148, %swap3A_149], %get3A_146 {strides = array<i32>} : memref<17x128xf32, #tpu.memory_space<vmem>>, vector<16xf32>,
    %get3A_151 = arith.constant 0 : index
    %get3A_152 = tpu.vector_load %arg19[%get3A_151] {strides = array<i32>} : memref<16xf32, #tpu.memory_space<vmem>>, vector<16xf32>,
    %swap3A_153 = arith.constant 0 : i32
    %swap3A_154 = arith.index_cast %swap3A_153 : i32 to index
    %swap3A_155 = arith.constant 0 : index
    %swap3A_156 = tpu.vector_load %arg22[%swap3A_154, %swap3A_155] {strides = array<i32>} : memref<17x128xf32, #tpu.memory_space<vmem>>, vector<16xf32>,
    tpu.vector_store %arg22[%swap3A_154, %swap3A_155], %get3A_152 {strides = array<i32>} : memref<17x128xf32, #tpu.memory_space<vmem>>, vector<16xf32>,
    %add3A_157 = vector.broadcast %add3A_91 : i32 to vector<16xi32>
    %add3A_158 = arith.addi %add3A_157, %iota3A : vector<16xi32>
    %swap3A_159 = arith.constant 0 : i32
    %swap3A_160 = arith.index_cast %swap3A_159 : i32 to index
    %swap3A_161 = arith.constant 16 : index
    %swap3A_162 = tpu.vector_load %arg20[%swap3A_160, %swap3A_161] {strides = array<i32>} : memref<17x128xi32, #tpu.memory_space<vmem>>, vector<16xi32>,
    tpu.vector_store %arg20[%swap3A_160, %swap3A_161], %add3A_158 {strides = array<i32>} : memref<17x128xi32, #tpu.memory_space<vmem>>, vector<16xi32>,
    %add3A_163 = vector.broadcast %add3A_91 : i32 to vector<16xi32>
    %add3A_164 = arith.addi %add3A_163, %iota3A : vector<16xi32>
    %swap3A_165 = arith.constant 0 : i32
    %swap3A_166 = arith.index_cast %swap3A_165 : i32 to index
    %swap3A_167 = arith.constant 32 : index
    %swap3A_168 = tpu.vector_load %arg20[%swap3A_166, %swap3A_167] {strides = array<i32>} : memref<17x128xi32, #tpu.memory_space<vmem>>, vector<16xi32>,
    tpu.vector_store %arg20[%swap3A_166, %swap3A_167], %add3A_164 {strides = array<i32>} : memref<17x128xi32, #tpu.memory_space<vmem>>, vector<16xi32>,
    %add3A_169 = vector.broadcast %add3A_91 : i32 to vector<16xi32>
    %add3A_170 = arith.addi %add3A_169, %iota3A : vector<16xi32>
    %swap3A_171 = arith.constant 0 : i32
    %swap3A_172 = arith.index_cast %swap3A_171 : i32 to index
    %swap3A_173 = arith.constant 48 : index
    %swap3A_174 = tpu.vector_load %arg20[%swap3A_172, %swap3A_173] {strides = array<i32>} : memref<17x128xi32, #tpu.memory_space<vmem>>, vector<16xi32>,
    tpu.vector_store %arg20[%swap3A_172, %swap3A_173], %add3A_170 {strides = array<i32>} : memref<17x128xi32, #tpu.memory_space<vmem>>, vector<16xi32>,
    %add3A_175 = vector.broadcast %add3A_91 : i32 to vector<16xi32>
    %add3A_176 = arith.addi %add3A_175, %iota3A : vector<16xi32>
    %swap3A_177 = arith.constant 0 : i32
    %swap3A_178 = arith.index_cast %swap3A_177 : i32 to index
    %swap3A_179 = arith.constant 64 : index
    %swap3A_180 = tpu.vector_load %arg20[%swap3A_178, %swap3A_179] {strides = array<i32>} : memref<17x128xi32, #tpu.memory_space<vmem>>, vector<16xi32>,
    tpu.vector_store %arg20[%swap3A_178, %swap3A_179], %add3A_176 {strides = array<i32>} : memref<17x128xi32, #tpu.memory_space<vmem>>, vector<16xi32>,
    %add3A_181 = vector.broadcast %add3A_91 : i32 to vector<16xi32>
    %add3A_182 = arith.addi %add3A_181, %iota3A : vector<16xi32>
    %swap3A_183 = arith.constant 0 : i32
    %swap3A_184 = arith.index_cast %swap3A_183 : i32 to index
    %swap3A_185 = arith.constant 80 : index
    %swap3A_186 = tpu.vector_load %arg20[%swap3A_184, %swap3A_185] {strides = array<i32>} : memref<17x128xi32, #tpu.memory_space<vmem>>, vector<16xi32>,
    tpu.vector_store %arg20[%swap3A_184, %swap3A_185], %add3A_182 {strides = array<i32>} : memref<17x128xi32, #tpu.memory_space<vmem>>, vector<16xi32>,
    %add3A_187 = vector.broadcast %add3A_91 : i32 to vector<16xi32>
    %add3A_188 = arith.addi %add3A_187, %iota3A : vector<16xi32>
    %swap3A_189 = arith.constant 0 : i32
    %swap3A_190 = arith.index_cast %swap3A_189 : i32 to index
    %swap3A_191 = arith.constant 96 : index
    %swap3A_192 = tpu.vector_load %arg20[%swap3A_190, %swap3A_191] {strides = array<i32>} : memref<17x128xi32, #tpu.memory_space<vmem>>, vector<16xi32>,
    tpu.vector_store %arg20[%swap3A_190, %swap3A_191], %add3A_188 {strides = array<i32>} : memref<17x128xi32, #tpu.memory_space<vmem>>, vector<16xi32>,
    %add3A_193 = vector.broadcast %add3A_91 : i32 to vector<16xi32>
    %add3A_194 = arith.addi %add3A_193, %iota3A : vector<16xi32>
    %swap3A_195 = arith.constant 0 : i32
    %swap3A_196 = arith.index_cast %swap3A_195 : i32 to index
    %swap3A_197 = arith.constant 112 : index
    %swap3A_198 = tpu.vector_load %arg20[%swap3A_196, %swap3A_197] {strides = array<i32>} : memref<17x128xi32, #tpu.memory_space<vmem>>, vector<16xi32>,
    tpu.vector_store %arg20[%swap3A_196, %swap3A_197], %add3A_194 {strides = array<i32>} : memref<17x128xi32, #tpu.memory_space<vmem>>, vector<16xi32>,
    %dma_start3A = arith.constant 0 : i32
    %dma_start3A_199 = arith.constant 0 : i32
    %dma_start3A_200 = arith.constant 0 : i32
    %dma_start3A_201 = tpu.memref_slice %arg21[%dma_start3A, %dma_start3A_200] : memref<17x128xf32, #tpu.memory_space<vmem>> -> memref<1x128xf32, #tpu.memory_space<vmem>>
    %dma_start3A_202 = tpu.memref_squeeze %dma_start3A_201 : memref<1x128xf32, #tpu.memory_space<vmem>> -> memref<128xf32, #tpu.memory_space<vmem>>
    %dma_start3A_203 = arith.constant 0 : i32
    %dma_start3A_204 = tpu.memref_slice %arg20[%dma_start3A_199, %dma_start3A_203] : memref<17x128xi32, #tpu.memory_space<vmem>> -> memref<1x128xi32, #tpu.memory_space<vmem>>
    %dma_start3A_205 = tpu.memref_squeeze %dma_start3A_204 : memref<1x128xi32, #tpu.memory_space<vmem>> -> memref<128xi32, #tpu.memory_space<vmem>>
    %dma_start3A_206 = arith.constant 0 : i32
    %dma_start3A_207 = tpu.memref_slice %arg9[%dma_start3A_206] : memref<1049088xf32, #tpu.memory_space<hbm>> -> memref<1049088xf32, #tpu.memory_space<hbm>>
    tpu.enqueue_indirect_dma source(%dma_start3A_202 : memref<128xf32, #tpu.memory_space<vmem>>) target(%dma_start3A_207 : memref<1049088xf32, #tpu.memory_space<hbm>>) offsets(%dma_start3A_205 : memref<128xi32, #tpu.memory_space<vmem>>) semaphore(%arg27 : memref<!tpu.dma_semaphore, #tpu.memory_space<semaphore_mem>>)
    %dma_start3A_208 = arith.constant 0 : i32
    %dma_start3A_209 = arith.constant 0 : i32
    %dma_start3A_210 = arith.constant 0 : i32
    %dma_start3A_211 = tpu.memref_slice %arg22[%dma_start3A_208, %dma_start3A_210] : memref<17x128xf32, #tpu.memory_space<vmem>> -> memref<1x128xf32, #tpu.memory_space<vmem>>
    %dma_start3A_212 = tpu.memref_squeeze %dma_start3A_211 : memref<1x128xf32, #tpu.memory_space<vmem>> -> memref<128xf32, #tpu.memory_space<vmem>>
    %dma_start3A_213 = arith.constant 0 : i32
    %dma_start3A_214 = tpu.memref_slice %arg20[%dma_start3A_209, %dma_start3A_213] : memref<17x128xi32, #tpu.memory_space<vmem>> -> memref<1x128xi32, #tpu.memory_space<vmem>>
    %dma_start3A_215 = tpu.memref_squeeze %dma_start3A_214 : memref<1x128xi32, #tpu.memory_space<vmem>> -> memref<128xi32, #tpu.memory_space<vmem>>
    %dma_start3A_216 = arith.constant 0 : i32
    %dma_start3A_217 = tpu.memref_slice %arg10[%dma_start3A_216] : memref<1049088xf32, #tpu.memory_space<hbm>> -> memref<1049088xf32, #tpu.memory_space<hbm>>
    tpu.enqueue_indirect_dma source(%dma_start3A_212 : memref<128xf32, #tpu.memory_space<vmem>>) target(%dma_start3A_217 : memref<1049088xf32, #tpu.memory_space<hbm>>) offsets(%dma_start3A_215 : memref<128xi32, #tpu.memory_space<vmem>>) semaphore(%arg27 : memref<!tpu.dma_semaphore, #tpu.memory_space<semaphore_mem>>)
    %dma_wait3A = arith.constant 0 : i32
    %dma_wait3A_218 = arith.constant 0 : i32
    %dma_wait3A_219 = arith.constant 0 : i32
    %dma_wait3A_220 = tpu.memref_slice %arg21[%dma_wait3A, %dma_wait3A_219] : memref<17x128xf32, #tpu.memory_space<vmem>> -> memref<1x128xf32, #tpu.memory_space<vmem>>
    %dma_wait3A_221 = tpu.memref_squeeze %dma_wait3A_220 : memref<1x128xf32, #tpu.memory_space<vmem>> -> memref<128xf32, #tpu.memory_space<vmem>>
    %dma_wait3A_222 = arith.constant 0 : i32
    %dma_wait3A_223 = tpu.memref_slice %arg20[%dma_wait3A_218, %dma_wait3A_222] : memref<17x128xi32, #tpu.memory_space<vmem>> -> memref<1x128xi32, #tpu.memory_space<vmem>>
    %dma_wait3A_224 = tpu.memref_squeeze %dma_wait3A_223 : memref<1x128xi32, #tpu.memory_space<vmem>> -> memref<128xi32, #tpu.memory_space<vmem>>
    %dma_wait3A_225 = arith.constant 0 : i32
    %dma_wait3A_226 = tpu.memref_slice %arg9[%dma_wait3A_225] : memref<1049088xf32, #tpu.memory_space<hbm>> -> memref<1049088xf32, #tpu.memory_space<hbm>>
    tpu.wait_indirect_dma semaphore(%arg27 : memref<!tpu.dma_semaphore, #tpu.memory_space<semaphore_mem>>) src(%dma_wait3A_221 : memref<128xf32, #tpu.memory_space<vmem>>) dst(%dma_wait3A_226 : memref<1049088xf32, #tpu.memory_space<hbm>>)
    %dma_wait3A_227 = arith.constant 0 : i32
    %dma_wait3A_228 = arith.constant 0 : i32
    %dma_wait3A_229 = arith.constant 0 : i32
    %dma_wait3A_230 = tpu.memref_slice %arg22[%dma_wait3A_227, %dma_wait3A_229] : memref<17x128xf32, #tpu.memory_space<vmem>> -> memref<1x128xf32, #tpu.memory_space<vmem>>
    %dma_wait3A_231 = tpu.memref_squeeze %dma_wait3A_230 : memref<1x128xf32, #tpu.memory_space<vmem>> -> memref<128xf32, #tpu.memory_space<vmem>>
    %dma_wait3A_232 = arith.constant 0 : i32
    %dma_wait3A_233 = tpu.memref_slice %arg20[%dma_wait3A_228, %dma_wait3A_232] : memref<17x128xi32, #tpu.memory_space<vmem>> -> memref<1x128xi32, #tpu.memory_space<vmem>>
    %dma_wait3A_234 = tpu.memref_squeeze %dma_wait3A_233 : memref<1x128xi32, #tpu.memory_space<vmem>> -> memref<128xi32, #tpu.memory_space<vmem>>
    %dma_wait3A_235 = arith.constant 0 : i32
    %dma_wait3A_236 = tpu.memref_slice %arg10[%dma_wait3A_235] : memref<1049088xf32, #tpu.memory_space<hbm>> -> memref<1049088xf32, #tpu.memory_space<hbm>>
    tpu.wait_indirect_dma semaphore(%arg27 : memref<!tpu.dma_semaphore, #tpu.memory_space<semaphore_mem>>) src(%dma_wait3A_231 : memref<128xf32, #tpu.memory_space<vmem>>) dst(%dma_wait3A_236 : memref<1049088xf32, #tpu.memory_space<hbm>>)
    %mul3A_237 = arith.constant 2048 : i32
    %mul3A_238 = arith.muli %select_n3A_123, %mul3A_237 : i32
    %scan3A_239 = arith.constant 0 : i32
    %scan3A_240 = arith.constant 0 : i32
    %scan3A_241 = arith.constant 17 : i32
    %scan3A_242 = arith.addi %scan3A_240, %scan3A_241 : i32
    %scan3A_243 = arith.constant 1 : i32
    %scan3A_244 = scf.for %scan3A_246 = %scan3A_240 to %scan3A_242 step %scan3A_243 iter_args(%scan3A_247 = %scan3A_239) -> (i32)  : i32 {
      %mul3A_248 = arith.constant 128 : i32
      %mul3A_249 = arith.muli %scan3A_246, %mul3A_248 : i32
      %add3A_250 = arith.addi %mul3A_238, %mul3A_249 : i32
      %sub3A_251 = arith.subi %reduce_sum3A_56, %select_n3A_87 : i32
      %lt3A_252 = arith.cmpi slt, %add3A_250, %sub3A_251 : i32
      %convert_element_type3A = arith.extui %lt3A_252 : i1 to i32
      %cond3A = arith.constant 0 : i32
      %cond3A_253 = arith.cmpi ne, %convert_element_type3A, %cond3A : i32
      scf.if %cond3A_253 {
        %mul3A_255 = arith.constant 128 : i32
        %mul3A_256 = arith.muli %scan3A_246, %mul3A_255 : i32
        %add3A_257 = arith.addi %mul3A_238, %mul3A_256 : i32
        %add3A_258 = arith.constant 0 : i32
        %add3A_259 = arith.addi %add3A_257, %add3A_258 : i32
        %add3A_260 = vector.broadcast %add3A_259 : i32 to vector<16xi32>
        %add3A_261 = arith.addi %add3A_260, %iota3A : vector<16xi32>
        %sub3A_262 = arith.subi %reduce_sum3A_56, %select_n3A_87 : i32
        %lt3A_263 = vector.broadcast %sub3A_262 : i32 to vector<16xi32>
        %lt3A_264 = arith.cmpi slt, %add3A_261, %lt3A_263 : vector<16xi32>
        %add3A_265 = vector.broadcast %add3A_92 : i32 to vector<16xi32>
        %add3A_266 = arith.addi %add3A_265, %add3A_261 : vector<16xi32>
        %add3A_267 = vector.broadcast %add3A_91 : i32 to vector<16xi32>
        %add3A_268 = arith.addi %add3A_267, %iota3A : vector<16xi32>
        %select_n3A_269 = arith.select %lt3A_264, %add3A_266, %add3A_268 : vector<16xi1>, vector<16xi32>
        %swap3A_270 = arith.constant 1 : i32
        %swap3A_271 = arith.index_cast %swap3A_270 : i32 to index
        %swap3A_272 = arith.constant 0 : index
        %swap3A_273 = tpu.vector_load %arg20[%swap3A_271, %swap3A_272] {strides = array<i32>} : memref<17x128xi32, #tpu.memory_space<vmem>>, vector<16xi32>,
        tpu.vector_store %arg20[%swap3A_271, %swap3A_272], %select_n3A_269 {strides = array<i32>} : memref<17x128xi32, #tpu.memory_space<vmem>>, vector<16xi32>,
        %get3A_274 = arith.index_cast %add3A_259 : i32 to index
        %get3A_275 = tpu.vector_load %arg16[%get3A_274] {strides = array<i32>} : memref<36864xf32, #tpu.memory_space<vmem>>, vector<16xf32>,
        %swap3A_276 = arith.constant 1 : i32
        %swap3A_277 = arith.index_cast %swap3A_276 : i32 to index
        %swap3A_278 = arith.constant 0 : index
        %swap3A_279 = tpu.vector_load %arg21[%swap3A_277, %swap3A_278] {strides = array<i32>} : memref<17x128xf32, #tpu.memory_space<vmem>>, vector<16xf32>,
        tpu.vector_store %arg21[%swap3A_277, %swap3A_278], %get3A_275 {strides = array<i32>} : memref<17x128xf32, #tpu.memory_space<vmem>>, vector<16xf32>,
        %get3A_280 = arith.index_cast %add3A_259 : i32 to index
        %get3A_281 = tpu.vector_load %arg17[%get3A_280] {strides = array<i32>} : memref<36864xf32, #tpu.memory_space<vmem>>, vector<16xf32>,
        %swap3A_282 = arith.constant 1 : i32
        %swap3A_283 = arith.index_cast %swap3A_282 : i32 to index
        %swap3A_284 = arith.constant 0 : index
        %swap3A_285 = tpu.vector_load %arg22[%swap3A_283, %swap3A_284] {strides = array<i32>} : memref<17x128xf32, #tpu.memory_space<vmem>>, vector<16xf32>,
        tpu.vector_store %arg22[%swap3A_283, %swap3A_284], %get3A_281 {strides = array<i32>} : memref<17x128xf32, #tpu.memory_space<vmem>>, vector<16xf32>,
        %mul3A_286 = arith.constant 128 : i32
        %mul3A_287 = arith.muli %scan3A_246, %mul3A_286 : i32
        %add3A_288 = arith.addi %mul3A_238, %mul3A_287 : i32
        %add3A_289 = arith.constant 16 : i32
        %add3A_290 = arith.addi %add3A_288, %add3A_289 : i32
        %add3A_291 = vector.broadcast %add3A_290 : i32 to vector<16xi32>
        %add3A_292 = arith.addi %add3A_291, %iota3A : vector<16xi32>
        %sub3A_293 = arith.subi %reduce_sum3A_56, %select_n3A_87 : i32
        %lt3A_294 = vector.broadcast %sub3A_293 : i32 to vector<16xi32>
        %lt3A_295 = arith.cmpi slt, %add3A_292, %lt3A_294 : vector<16xi32>
        %add3A_296 = vector.broadcast %add3A_92 : i32 to vector<16xi32>
        %add3A_297 = arith.addi %add3A_296, %add3A_292 : vector<16xi32>
        %add3A_298 = vector.broadcast %add3A_91 : i32 to vector<16xi32>
        %add3A_299 = arith.addi %add3A_298, %iota3A : vector<16xi32>
        %select_n3A_300 = arith.select %lt3A_295, %add3A_297, %add3A_299 : vector<16xi1>, vector<16xi32>
        %swap3A_301 = arith.constant 1 : i32
        %swap3A_302 = arith.index_cast %swap3A_301 : i32 to index
        %swap3A_303 = arith.constant 16 : index
        %swap3A_304 = tpu.vector_load %arg20[%swap3A_302, %swap3A_303] {strides = array<i32>} : memref<17x128xi32, #tpu.memory_space<vmem>>, vector<16xi32>,
        tpu.vector_store %arg20[%swap3A_302, %swap3A_303], %select_n3A_300 {strides = array<i32>} : memref<17x128xi32, #tpu.memory_space<vmem>>, vector<16xi32>,
        %get3A_305 = arith.index_cast %add3A_290 : i32 to index
        %get3A_306 = tpu.vector_load %arg16[%get3A_305] {strides = array<i32>} : memref<36864xf32, #tpu.memory_space<vmem>>, vector<16xf32>,
        %swap3A_307 = arith.constant 1 : i32
        %swap3A_308 = arith.index_cast %swap3A_307 : i32 to index
        %swap3A_309 = arith.constant 16 : index
        %swap3A_310 = tpu.vector_load %arg21[%swap3A_308, %swap3A_309] {strides = array<i32>} : memref<17x128xf32, #tpu.memory_space<vmem>>, vector<16xf32>,
        tpu.vector_store %arg21[%swap3A_308, %swap3A_309], %get3A_306 {strides = array<i32>} : memref<17x128xf32, #tpu.memory_space<vmem>>, vector<16xf32>,
        %get3A_311 = arith.index_cast %add3A_290 : i32 to index
        %get3A_312 = tpu.vector_load %arg17[%get3A_311] {strides = array<i32>} : memref<36864xf32, #tpu.memory_space<vmem>>, vector<16xf32>,
        %swap3A_313 = arith.constant 1 : i32
        %swap3A_314 = arith.index_cast %swap3A_313 : i32 to index
        %swap3A_315 = arith.constant 16 : index
        %swap3A_316 = tpu.vector_load %arg22[%swap3A_314, %swap3A_315] {strides = array<i32>} : memref<17x128xf32, #tpu.memory_space<vmem>>, vector<16xf32>,
        tpu.vector_store %arg22[%swap3A_314, %swap3A_315], %get3A_312 {strides = array<i32>} : memref<17x128xf32, #tpu.memory_space<vmem>>, vector<16xf32>,
        %mul3A_317 = arith.constant 128 : i32
        %mul3A_318 = arith.muli %scan3A_246, %mul3A_317 : i32
        %add3A_319 = arith.addi %mul3A_238, %mul3A_318 : i32
        %add3A_320 = arith.constant 32 : i32
        %add3A_321 = arith.addi %add3A_319, %add3A_320 : i32
        %add3A_322 = vector.broadcast %add3A_321 : i32 to vector<16xi32>
        %add3A_323 = arith.addi %add3A_322, %iota3A : vector<16xi32>
        %sub3A_324 = arith.subi %reduce_sum3A_56, %select_n3A_87 : i32
        %lt3A_325 = vector.broadcast %sub3A_324 : i32 to vector<16xi32>
        %lt3A_326 = arith.cmpi slt, %add3A_323, %lt3A_325 : vector<16xi32>
        %add3A_327 = vector.broadcast %add3A_92 : i32 to vector<16xi32>
        %add3A_328 = arith.addi %add3A_327, %add3A_323 : vector<16xi32>
        %add3A_329 = vector.broadcast %add3A_91 : i32 to vector<16xi32>
        %add3A_330 = arith.addi %add3A_329, %iota3A : vector<16xi32>
        %select_n3A_331 = arith.select %lt3A_326, %add3A_328, %add3A_330 : vector<16xi1>, vector<16xi32>
        %swap3A_332 = arith.constant 1 : i32
        %swap3A_333 = arith.index_cast %swap3A_332 : i32 to index
        %swap3A_334 = arith.constant 32 : index
        %swap3A_335 = tpu.vector_load %arg20[%swap3A_333, %swap3A_334] {strides = array<i32>} : memref<17x128xi32, #tpu.memory_space<vmem>>, vector<16xi32>,
        tpu.vector_store %arg20[%swap3A_333, %swap3A_334], %select_n3A_331 {strides = array<i32>} : memref<17x128xi32, #tpu.memory_space<vmem>>, vector<16xi32>,
        %get3A_336 = arith.index_cast %add3A_321 : i32 to index
        %get3A_337 = tpu.vector_load %arg16[%get3A_336] {strides = array<i32>} : memref<36864xf32, #tpu.memory_space<vmem>>, vector<16xf32>,
        %swap3A_338 = arith.constant 1 : i32
        %swap3A_339 = arith.index_cast %swap3A_338 : i32 to index
        %swap3A_340 = arith.constant 32 : index
        %swap3A_341 = tpu.vector_load %arg21[%swap3A_339, %swap3A_340] {strides = array<i32>} : memref<17x128xf32, #tpu.memory_space<vmem>>, vector<16xf32>,
        tpu.vector_store %arg21[%swap3A_339, %swap3A_340], %get3A_337 {strides = array<i32>} : memref<17x128xf32, #tpu.memory_space<vmem>>, vector<16xf32>,
        %get3A_342 = arith.index_cast %add3A_321 : i32 to index
        %get3A_343 = tpu.vector_load %arg17[%get3A_342] {strides = array<i32>} : memref<36864xf32, #tpu.memory_space<vmem>>, vector<16xf32>,
        %swap3A_344 = arith.constant 1 : i32
        %swap3A_345 = arith.index_cast %swap3A_344 : i32 to index
        %swap3A_346 = arith.constant 32 : index
        %swap3A_347 = tpu.vector_load %arg22[%swap3A_345, %swap3A_346] {strides = array<i32>} : memref<17x128xf32, #tpu.memory_space<vmem>>, vector<16xf32>,
        tpu.vector_store %arg22[%swap3A_345, %swap3A_346], %get3A_343 {strides = array<i32>} : memref<17x128xf32, #tpu.memory_space<vmem>>, vector<16xf32>,
        %mul3A_348 = arith.constant 128 : i32
        %mul3A_349 = arith.muli %scan3A_246, %mul3A_348 : i32
        %add3A_350 = arith.addi %mul3A_238, %mul3A_349 : i32
        %add3A_351 = arith.constant 48 : i32
        %add3A_352 = arith.addi %add3A_350, %add3A_351 : i32
        %add3A_353 = vector.broadcast %add3A_352 : i32 to vector<16xi32>
        %add3A_354 = arith.addi %add3A_353, %iota3A : vector<16xi32>
        %sub3A_355 = arith.subi %reduce_sum3A_56, %select_n3A_87 : i32
        %lt3A_356 = vector.broadcast %sub3A_355 : i32 to vector<16xi32>
        %lt3A_357 = arith.cmpi slt, %add3A_354, %lt3A_356 : vector<16xi32>
        %add3A_358 = vector.broadcast %add3A_92 : i32 to vector<16xi32>
        %add3A_359 = arith.addi %add3A_358, %add3A_354 : vector<16xi32>
        %add3A_360 = vector.broadcast %add3A_91 : i32 to vector<16xi32>
        %add3A_361 = arith.addi %add3A_360, %iota3A : vector<16xi32>
        %select_n3A_362 = arith.select %lt3A_357, %add3A_359, %add3A_361 : vector<16xi1>, vector<16xi32>
        %swap3A_363 = arith.constant 1 : i32
        %swap3A_364 = arith.index_cast %swap3A_363 : i32 to index
        %swap3A_365 = arith.constant 48 : index
        %swap3A_366 = tpu.vector_load %arg20[%swap3A_364, %swap3A_365] {strides = array<i32>} : memref<17x128xi32, #tpu.memory_space<vmem>>, vector<16xi32>,
        tpu.vector_store %arg20[%swap3A_364, %swap3A_365], %select_n3A_362 {strides = array<i32>} : memref<17x128xi32, #tpu.memory_space<vmem>>, vector<16xi32>,
        %get3A_367 = arith.index_cast %add3A_352 : i32 to index
        %get3A_368 = tpu.vector_load %arg16[%get3A_367] {strides = array<i32>} : memref<36864xf32, #tpu.memory_space<vmem>>, vector<16xf32>,
        %swap3A_369 = arith.constant 1 : i32
        %swap3A_370 = arith.index_cast %swap3A_369 : i32 to index
        %swap3A_371 = arith.constant 48 : index
        %swap3A_372 = tpu.vector_load %arg21[%swap3A_370, %swap3A_371] {strides = array<i32>} : memref<17x128xf32, #tpu.memory_space<vmem>>, vector<16xf32>,
        tpu.vector_store %arg21[%swap3A_370, %swap3A_371], %get3A_368 {strides = array<i32>} : memref<17x128xf32, #tpu.memory_space<vmem>>, vector<16xf32>,
        %get3A_373 = arith.index_cast %add3A_352 : i32 to index
        %get3A_374 = tpu.vector_load %arg17[%get3A_373] {strides = array<i32>} : memref<36864xf32, #tpu.memory_space<vmem>>, vector<16xf32>,
        %swap3A_375 = arith.constant 1 : i32
        %swap3A_376 = arith.index_cast %swap3A_375 : i32 to index
        %swap3A_377 = arith.constant 48 : index
        %swap3A_378 = tpu.vector_load %arg22[%swap3A_376, %swap3A_377] {strides = array<i32>} : memref<17x128xf32, #tpu.memory_space<vmem>>, vector<16xf32>,
        tpu.vector_store %arg22[%swap3A_376, %swap3A_377], %get3A_374 {strides = array<i32>} : memref<17x128xf32, #tpu.memory_space<vmem>>, vector<16xf32>,
        %mul3A_379 = arith.constant 128 : i32
        %mul3A_380 = arith.muli %scan3A_246, %mul3A_379 : i32
        %add3A_381 = arith.addi %mul3A_238, %mul3A_380 : i32
        %add3A_382 = arith.constant 64 : i32
        %add3A_383 = arith.addi %add3A_381, %add3A_382 : i32
        %add3A_384 = vector.broadcast %add3A_383 : i32 to vector<16xi32>
        %add3A_385 = arith.addi %add3A_384, %iota3A : vector<16xi32>
        %sub3A_386 = arith.subi %reduce_sum3A_56, %select_n3A_87 : i32
        %lt3A_387 = vector.broadcast %sub3A_386 : i32 to vector<16xi32>
        %lt3A_388 = arith.cmpi slt, %add3A_385, %lt3A_387 : vector<16xi32>
        %add3A_389 = vector.broadcast %add3A_92 : i32 to vector<16xi32>
        %add3A_390 = arith.addi %add3A_389, %add3A_385 : vector<16xi32>
        %add3A_391 = vector.broadcast %add3A_91 : i32 to vector<16xi32>
        %add3A_392 = arith.addi %add3A_391, %iota3A : vector<16xi32>
        %select_n3A_393 = arith.select %lt3A_388, %add3A_390, %add3A_392 : vector<16xi1>, vector<16xi32>
        %swap3A_394 = arith.constant 1 : i32
        %swap3A_395 = arith.index_cast %swap3A_394 : i32 to index
        %swap3A_396 = arith.constant 64 : index
        %swap3A_397 = tpu.vector_load %arg20[%swap3A_395, %swap3A_396] {strides = array<i32>} : memref<17x128xi32, #tpu.memory_space<vmem>>, vector<16xi32>,
        tpu.vector_store %arg20[%swap3A_395, %swap3A_396], %select_n3A_393 {strides = array<i32>} : memref<17x128xi32, #tpu.memory_space<vmem>>, vector<16xi32>,
        %get3A_398 = arith.index_cast %add3A_383 : i32 to index
        %get3A_399 = tpu.vector_load %arg16[%get3A_398] {strides = array<i32>} : memref<36864xf32, #tpu.memory_space<vmem>>, vector<16xf32>,
        %swap3A_400 = arith.constant 1 : i32
        %swap3A_401 = arith.index_cast %swap3A_400 : i32 to index
        %swap3A_402 = arith.constant 64 : index
        %swap3A_403 = tpu.vector_load %arg21[%swap3A_401, %swap3A_402] {strides = array<i32>} : memref<17x128xf32, #tpu.memory_space<vmem>>, vector<16xf32>,
        tpu.vector_store %arg21[%swap3A_401, %swap3A_402], %get3A_399 {strides = array<i32>} : memref<17x128xf32, #tpu.memory_space<vmem>>, vector<16xf32>,
        %get3A_404 = arith.index_cast %add3A_383 : i32 to index
        %get3A_405 = tpu.vector_load %arg17[%get3A_404] {strides = array<i32>} : memref<36864xf32, #tpu.memory_space<vmem>>, vector<16xf32>,
        %swap3A_406 = arith.constant 1 : i32
        %swap3A_407 = arith.index_cast %swap3A_406 : i32 to index
        %swap3A_408 = arith.constant 64 : index
        %swap3A_409 = tpu.vector_load %arg22[%swap3A_407, %swap3A_408] {strides = array<i32>} : memref<17x128xf32, #tpu.memory_space<vmem>>, vector<16xf32>,
        tpu.vector_store %arg22[%swap3A_407, %swap3A_408], %get3A_405 {strides = array<i32>} : memref<17x128xf32, #tpu.memory_space<vmem>>, vector<16xf32>,
        %mul3A_410 = arith.constant 128 : i32
        %mul3A_411 = arith.muli %scan3A_246, %mul3A_410 : i32
        %add3A_412 = arith.addi %mul3A_238, %mul3A_411 : i32
        %add3A_413 = arith.constant 80 : i32
        %add3A_414 = arith.addi %add3A_412, %add3A_413 : i32
        %add3A_415 = vector.broadcast %add3A_414 : i32 to vector<16xi32>
        %add3A_416 = arith.addi %add3A_415, %iota3A : vector<16xi32>
        %sub3A_417 = arith.subi %reduce_sum3A_56, %select_n3A_87 : i32
        %lt3A_418 = vector.broadcast %sub3A_417 : i32 to vector<16xi32>
        %lt3A_419 = arith.cmpi slt, %add3A_416, %lt3A_418 : vector<16xi32>
        %add3A_420 = vector.broadcast %add3A_92 : i32 to vector<16xi32>
        %add3A_421 = arith.addi %add3A_420, %add3A_416 : vector<16xi32>
        %add3A_422 = vector.broadcast %add3A_91 : i32 to vector<16xi32>
        %add3A_423 = arith.addi %add3A_422, %iota3A : vector<16xi32>
        %select_n3A_424 = arith.select %lt3A_419, %add3A_421, %add3A_423 : vector<16xi1>, vector<16xi32>
        %swap3A_425 = arith.constant 1 : i32
        %swap3A_426 = arith.index_cast %swap3A_425 : i32 to index
        %swap3A_427 = arith.constant 80 : index
        %swap3A_428 = tpu.vector_load %arg20[%swap3A_426, %swap3A_427] {strides = array<i32>} : memref<17x128xi32, #tpu.memory_space<vmem>>, vector<16xi32>,
        tpu.vector_store %arg20[%swap3A_426, %swap3A_427], %select_n3A_424 {strides = array<i32>} : memref<17x128xi32, #tpu.memory_space<vmem>>, vector<16xi32>,
        %get3A_429 = arith.index_cast %add3A_414 : i32 to index
        %get3A_430 = tpu.vector_load %arg16[%get3A_429] {strides = array<i32>} : memref<36864xf32, #tpu.memory_space<vmem>>, vector<16xf32>,
        %swap3A_431 = arith.constant 1 : i32
        %swap3A_432 = arith.index_cast %swap3A_431 : i32 to index
        %swap3A_433 = arith.constant 80 : index
        %swap3A_434 = tpu.vector_load %arg21[%swap3A_432, %swap3A_433] {strides = array<i32>} : memref<17x128xf32, #tpu.memory_space<vmem>>, vector<16xf32>,
        tpu.vector_store %arg21[%swap3A_432, %swap3A_433], %get3A_430 {strides = array<i32>} : memref<17x128xf32, #tpu.memory_space<vmem>>, vector<16xf32>,
        %get3A_435 = arith.index_cast %add3A_414 : i32 to index
        %get3A_436 = tpu.vector_load %arg17[%get3A_435] {strides = array<i32>} : memref<36864xf32, #tpu.memory_space<vmem>>, vector<16xf32>,
        %swap3A_437 = arith.constant 1 : i32
        %swap3A_438 = arith.index_cast %swap3A_437 : i32 to index
        %swap3A_439 = arith.constant 80 : index
        %swap3A_440 = tpu.vector_load %arg22[%swap3A_438, %swap3A_439] {strides = array<i32>} : memref<17x128xf32, #tpu.memory_space<vmem>>, vector<16xf32>,
        tpu.vector_store %arg22[%swap3A_438, %swap3A_439], %get3A_436 {strides = array<i32>} : memref<17x128xf32, #tpu.memory_space<vmem>>, vector<16xf32>,
        %mul3A_441 = arith.constant 128 : i32
        %mul3A_442 = arith.muli %scan3A_246, %mul3A_441 : i32
        %add3A_443 = arith.addi %mul3A_238, %mul3A_442 : i32
        %add3A_444 = arith.constant 96 : i32
        %add3A_445 = arith.addi %add3A_443, %add3A_444 : i32
        %add3A_446 = vector.broadcast %add3A_445 : i32 to vector<16xi32>
        %add3A_447 = arith.addi %add3A_446, %iota3A : vector<16xi32>
        %sub3A_448 = arith.subi %reduce_sum3A_56, %select_n3A_87 : i32
        %lt3A_449 = vector.broadcast %sub3A_448 : i32 to vector<16xi32>
        %lt3A_450 = arith.cmpi slt, %add3A_447, %lt3A_449 : vector<16xi32>
        %add3A_451 = vector.broadcast %add3A_92 : i32 to vector<16xi32>
        %add3A_452 = arith.addi %add3A_451, %add3A_447 : vector<16xi32>
        %add3A_453 = vector.broadcast %add3A_91 : i32 to vector<16xi32>
        %add3A_454 = arith.addi %add3A_453, %iota3A : vector<16xi32>
        %select_n3A_455 = arith.select %lt3A_450, %add3A_452, %add3A_454 : vector<16xi1>, vector<16xi32>
        %swap3A_456 = arith.constant 1 : i32
        %swap3A_457 = arith.index_cast %swap3A_456 : i32 to index
        %swap3A_458 = arith.constant 96 : index
        %swap3A_459 = tpu.vector_load %arg20[%swap3A_457, %swap3A_458] {strides = array<i32>} : memref<17x128xi32, #tpu.memory_space<vmem>>, vector<16xi32>,
        tpu.vector_store %arg20[%swap3A_457, %swap3A_458], %select_n3A_455 {strides = array<i32>} : memref<17x128xi32, #tpu.memory_space<vmem>>, vector<16xi32>,
        %get3A_460 = arith.index_cast %add3A_445 : i32 to index
        %get3A_461 = tpu.vector_load %arg16[%get3A_460] {strides = array<i32>} : memref<36864xf32, #tpu.memory_space<vmem>>, vector<16xf32>,
        %swap3A_462 = arith.constant 1 : i32
        %swap3A_463 = arith.index_cast %swap3A_462 : i32 to index
        %swap3A_464 = arith.constant 96 : index
        %swap3A_465 = tpu.vector_load %arg21[%swap3A_463, %swap3A_464] {strides = array<i32>} : memref<17x128xf32, #tpu.memory_space<vmem>>, vector<16xf32>,
        tpu.vector_store %arg21[%swap3A_463, %swap3A_464], %get3A_461 {strides = array<i32>} : memref<17x128xf32, #tpu.memory_space<vmem>>, vector<16xf32>,
        %get3A_466 = arith.index_cast %add3A_445 : i32 to index
        %get3A_467 = tpu.vector_load %arg17[%get3A_466] {strides = array<i32>} : memref<36864xf32, #tpu.memory_space<vmem>>, vector<16xf32>,
        %swap3A_468 = arith.constant 1 : i32
        %swap3A_469 = arith.index_cast %swap3A_468 : i32 to index
        %swap3A_470 = arith.constant 96 : index
        %swap3A_471 = tpu.vector_load %arg22[%swap3A_469, %swap3A_470] {strides = array<i32>} : memref<17x128xf32, #tpu.memory_space<vmem>>, vector<16xf32>,
        tpu.vector_store %arg22[%swap3A_469, %swap3A_470], %get3A_467 {strides = array<i32>} : memref<17x128xf32, #tpu.memory_space<vmem>>, vector<16xf32>,
        %mul3A_472 = arith.constant 128 : i32
        %mul3A_473 = arith.muli %scan3A_246, %mul3A_472 : i32
        %add3A_474 = arith.addi %mul3A_238, %mul3A_473 : i32
        %add3A_475 = arith.constant 112 : i32
        %add3A_476 = arith.addi %add3A_474, %add3A_475 : i32
        %add3A_477 = vector.broadcast %add3A_476 : i32 to vector<16xi32>
        %add3A_478 = arith.addi %add3A_477, %iota3A : vector<16xi32>
        %sub3A_479 = arith.subi %reduce_sum3A_56, %select_n3A_87 : i32
        %lt3A_480 = vector.broadcast %sub3A_479 : i32 to vector<16xi32>
        %lt3A_481 = arith.cmpi slt, %add3A_478, %lt3A_480 : vector<16xi32>
        %add3A_482 = vector.broadcast %add3A_92 : i32 to vector<16xi32>
        %add3A_483 = arith.addi %add3A_482, %add3A_478 : vector<16xi32>
        %add3A_484 = vector.broadcast %add3A_91 : i32 to vector<16xi32>
        %add3A_485 = arith.addi %add3A_484, %iota3A : vector<16xi32>
        %select_n3A_486 = arith.select %lt3A_481, %add3A_483, %add3A_485 : vector<16xi1>, vector<16xi32>
        %swap3A_487 = arith.constant 1 : i32
        %swap3A_488 = arith.index_cast %swap3A_487 : i32 to index
        %swap3A_489 = arith.constant 112 : index
        %swap3A_490 = tpu.vector_load %arg20[%swap3A_488, %swap3A_489] {strides = array<i32>} : memref<17x128xi32, #tpu.memory_space<vmem>>, vector<16xi32>,
        tpu.vector_store %arg20[%swap3A_488, %swap3A_489], %select_n3A_486 {strides = array<i32>} : memref<17x128xi32, #tpu.memory_space<vmem>>, vector<16xi32>,
        %get3A_491 = arith.index_cast %add3A_476 : i32 to index
        %get3A_492 = tpu.vector_load %arg16[%get3A_491] {strides = array<i32>} : memref<36864xf32, #tpu.memory_space<vmem>>, vector<16xf32>,
        %swap3A_493 = arith.constant 1 : i32
        %swap3A_494 = arith.index_cast %swap3A_493 : i32 to index
        %swap3A_495 = arith.constant 112 : index
        %swap3A_496 = tpu.vector_load %arg21[%swap3A_494, %swap3A_495] {strides = array<i32>} : memref<17x128xf32, #tpu.memory_space<vmem>>, vector<16xf32>,
        tpu.vector_store %arg21[%swap3A_494, %swap3A_495], %get3A_492 {strides = array<i32>} : memref<17x128xf32, #tpu.memory_space<vmem>>, vector<16xf32>,
        %get3A_497 = arith.index_cast %add3A_476 : i32 to index
        %get3A_498 = tpu.vector_load %arg17[%get3A_497] {strides = array<i32>} : memref<36864xf32, #tpu.memory_space<vmem>>, vector<16xf32>,
        %swap3A_499 = arith.constant 1 : i32
        %swap3A_500 = arith.index_cast %swap3A_499 : i32 to index
        %swap3A_501 = arith.constant 112 : index
        %swap3A_502 = tpu.vector_load %arg22[%swap3A_500, %swap3A_501] {strides = array<i32>} : memref<17x128xf32, #tpu.memory_space<vmem>>, vector<16xf32>,
        tpu.vector_store %arg22[%swap3A_500, %swap3A_501], %get3A_498 {strides = array<i32>} : memref<17x128xf32, #tpu.memory_space<vmem>>, vector<16xf32>,
        %dma_start3A_503 = arith.constant 1 : i32
        %dma_start3A_504 = arith.constant 1 : i32
        %dma_start3A_505 = arith.constant 0 : i32
        %dma_start3A_506 = tpu.memref_slice %arg21[%dma_start3A_503, %dma_start3A_505] : memref<17x128xf32, #tpu.memory_space<vmem>> -> memref<1x128xf32, #tpu.memory_space<vmem>>
        %dma_start3A_507 = tpu.memref_squeeze %dma_start3A_506 : memref<1x128xf32, #tpu.memory_space<vmem>> -> memref<128xf32, #tpu.memory_space<vmem>>
        %dma_start3A_508 = arith.constant 0 : i32
        %dma_start3A_509 = tpu.memref_slice %arg20[%dma_start3A_504, %dma_start3A_508] : memref<17x128xi32, #tpu.memory_space<vmem>> -> memref<1x128xi32, #tpu.memory_space<vmem>>
        %dma_start3A_510 = tpu.memref_squeeze %dma_start3A_509 : memref<1x128xi32, #tpu.memory_space<vmem>> -> memref<128xi32, #tpu.memory_space<vmem>>
        %dma_start3A_511 = arith.constant 0 : i32
        %dma_start3A_512 = tpu.memref_slice %arg9[%dma_start3A_511] : memref<1049088xf32, #tpu.memory_space<hbm>> -> memref<1049088xf32, #tpu.memory_space<hbm>>
        tpu.enqueue_indirect_dma source(%dma_start3A_507 : memref<128xf32, #tpu.memory_space<vmem>>) target(%dma_start3A_512 : memref<1049088xf32, #tpu.memory_space<hbm>>) offsets(%dma_start3A_510 : memref<128xi32, #tpu.memory_space<vmem>>) semaphore(%arg27 : memref<!tpu.dma_semaphore, #tpu.memory_space<semaphore_mem>>)
        %dma_start3A_513 = arith.constant 1 : i32
        %dma_start3A_514 = arith.constant 1 : i32
        %dma_start3A_515 = arith.constant 0 : i32
        %dma_start3A_516 = tpu.memref_slice %arg22[%dma_start3A_513, %dma_start3A_515] : memref<17x128xf32, #tpu.memory_space<vmem>> -> memref<1x128xf32, #tpu.memory_space<vmem>>
        %dma_start3A_517 = tpu.memref_squeeze %dma_start3A_516 : memref<1x128xf32, #tpu.memory_space<vmem>> -> memref<128xf32, #tpu.memory_space<vmem>>
        %dma_start3A_518 = arith.constant 0 : i32
        %dma_start3A_519 = tpu.memref_slice %arg20[%dma_start3A_514, %dma_start3A_518] : memref<17x128xi32, #tpu.memory_space<vmem>> -> memref<1x128xi32, #tpu.memory_space<vmem>>
        %dma_start3A_520 = tpu.memref_squeeze %dma_start3A_519 : memref<1x128xi32, #tpu.memory_space<vmem>> -> memref<128xi32, #tpu.memory_space<vmem>>
        %dma_start3A_521 = arith.constant 0 : i32
        %dma_start3A_522 = tpu.memref_slice %arg10[%dma_start3A_521] : memref<1049088xf32, #tpu.memory_space<hbm>> -> memref<1049088xf32, #tpu.memory_space<hbm>>
        tpu.enqueue_indirect_dma source(%dma_start3A_517 : memref<128xf32, #tpu.memory_space<vmem>>) target(%dma_start3A_522 : memref<1049088xf32, #tpu.memory_space<hbm>>) offsets(%dma_start3A_520 : memref<128xi32, #tpu.memory_space<vmem>>) semaphore(%arg27 : memref<!tpu.dma_semaphore, #tpu.memory_space<semaphore_mem>>)
        %dma_wait3A_523 = arith.constant 1 : i32
        %dma_wait3A_524 = arith.constant 1 : i32
        %dma_wait3A_525 = arith.constant 0 : i32
        %dma_wait3A_526 = tpu.memref_slice %arg21[%dma_wait3A_523, %dma_wait3A_525] : memref<17x128xf32, #tpu.memory_space<vmem>> -> memref<1x128xf32, #tpu.memory_space<vmem>>
        %dma_wait3A_527 = tpu.memref_squeeze %dma_wait3A_526 : memref<1x128xf32, #tpu.memory_space<vmem>> -> memref<128xf32, #tpu.memory_space<vmem>>
        %dma_wait3A_528 = arith.constant 0 : i32
        %dma_wait3A_529 = tpu.memref_slice %arg20[%dma_wait3A_524, %dma_wait3A_528] : memref<17x128xi32, #tpu.memory_space<vmem>> -> memref<1x128xi32, #tpu.memory_space<vmem>>
        %dma_wait3A_530 = tpu.memref_squeeze %dma_wait3A_529 : memref<1x128xi32, #tpu.memory_space<vmem>> -> memref<128xi32, #tpu.memory_space<vmem>>
        %dma_wait3A_531 = arith.constant 0 : i32
        %dma_wait3A_532 = tpu.memref_slice %arg9[%dma_wait3A_531] : memref<1049088xf32, #tpu.memory_space<hbm>> -> memref<1049088xf32, #tpu.memory_space<hbm>>
        tpu.wait_indirect_dma semaphore(%arg27 : memref<!tpu.dma_semaphore, #tpu.memory_space<semaphore_mem>>) src(%dma_wait3A_527 : memref<128xf32, #tpu.memory_space<vmem>>) dst(%dma_wait3A_532 : memref<1049088xf32, #tpu.memory_space<hbm>>)
        %dma_wait3A_533 = arith.constant 1 : i32
        %dma_wait3A_534 = arith.constant 1 : i32
        %dma_wait3A_535 = arith.constant 0 : i32
        %dma_wait3A_536 = tpu.memref_slice %arg22[%dma_wait3A_533, %dma_wait3A_535] : memref<17x128xf32, #tpu.memory_space<vmem>> -> memref<1x128xf32, #tpu.memory_space<vmem>>
        %dma_wait3A_537 = tpu.memref_squeeze %dma_wait3A_536 : memref<1x128xf32, #tpu.memory_space<vmem>> -> memref<128xf32, #tpu.memory_space<vmem>>
        %dma_wait3A_538 = arith.constant 0 : i32
        %dma_wait3A_539 = tpu.memref_slice %arg20[%dma_wait3A_534, %dma_wait3A_538] : memref<17x128xi32, #tpu.memory_space<vmem>> -> memref<1x128xi32, #tpu.memory_space<vmem>>
        %dma_wait3A_540 = tpu.memref_squeeze %dma_wait3A_539 : memref<1x128xi32, #tpu.memory_space<vmem>> -> memref<128xi32, #tpu.memory_space<vmem>>
        %dma_wait3A_541 = arith.constant 0 : i32
        %dma_wait3A_542 = tpu.memref_slice %arg10[%dma_wait3A_541] : memref<1049088xf32, #tpu.memory_space<hbm>> -> memref<1049088xf32, #tpu.memory_space<hbm>>
        tpu.wait_indirect_dma semaphore(%arg27 : memref<!tpu.dma_semaphore, #tpu.memory_space<semaphore_mem>>) src(%dma_wait3A_537 : memref<128xf32, #tpu.memory_space<vmem>>) dst(%dma_wait3A_542 : memref<1049088xf32, #tpu.memory_space<hbm>>)
      } else {
      }
      %scan3A_254 = arith.constant 0 : i32
      scf.yield %scan3A_254 : i32
    }
    %scan3A_245 = arith.constant 17 : i32
    return
  }
}

</mosaic_0001>

<sc_bundles>
// kernel: kernel.6.cloned.1.call-start
scs
__scs_entry_jumppad:
0x0: {  	(pc) =	sbr.rel $0x88, $3  }
0x1: {  	(tag) =	ssettag $0x0;
	lr =	simm.s32 $0x1  }
0x2: {  	[smem:$0x3F9E] =	sst lr;
	_ =	strace $0xD0000000  }
0x3: {  	_ = 	snop  }
0x4: {  	_ = 	snop  }
0x5: {  	_ = 	snop  }
0x6: {  	_ = 	snop  }
0x7: {  	_ = 	snop  }
__scs_overlays_trampoline_lowered:
0x8: {  	[smem:$0x3FAD] =	sst s0  }
0x9: {  	[smem:$0x3FAE] =	sst s1  }
0xa: {  	[smem:$0x3FAF] =	sst s2  }
0xb: {  	[smem:$0x3FB0] =	sst s3  }
0xc: {  	[smem:$0x3FB1] =	sst s4  }
0xd: {  	[smem:$0x3FB2] =	sst s5  }
0xe: {  	[smem:$0x3FB3] =	sst s6  }
0xf: {  	[smem:$0x3FB4] =	sst s7  }
0x10: {  	[smem:$0x3FB5] =	sst s8  }
0x11: {  	[smem:$0x3FB6] =	sst s9;
	s0 =	simm.s32 @!p0 $0x0  }
0x12: {  	s1 =	sld [smem:$0x3F9C];
	s0 =	simm.s32 @p0 $0x1  }
0x13: {  	[smem:$0x3FB7] =	sst s0;
	s0 =	simm.s32 @!p1 $0x0  }
0x14: {  	s2 =	sld [smem:$0x3F9B];
	s0 =	simm.s32 @p1 $0x1  }
0x15: {  	[smem:$0x3FB8] =	sst s0;
	s0 =	simm.s32 @!p2 $0x0  }
0x16: {  	s3 =	sld [smem:$0x3FDB];
	s0 =	simm.s32 @p2 $0x1  }
0x17: {  	s4 =	simm.s32 $0x1BF5;
	[smem:$0x3FBA] =	sst s0  }
0x18: {  	s0 =	sld [smem:$0x3F9D];
	_ =	swait.ge [sflag:s4], $0x0  }
0x19: {  	s7 =	sld [smem:$0x3F9E]  }
0x1a: {  	s8 =	sadd.s32 $0xFFFFE003, lr  }
0x1b: {  	s9 =	sadd.s32 $0xFFFFFEF7, lr;
	s5 =	simm.s32 $0xFFFFFFFF;
	p2 =	slt.u32 s8, $0xFFFFF086  }
0x1c: {  	p1 =	slt.u32 s9, $0xF7A;
	s5 =	simm.s32 @!p2 $0x0  }
0x1d: {  	s5 =	simm.s32 @p1 $0x1;
	p0 =	seq.s32 s7, s2  }
0x1e: {  	s7 =	smul.u32 @!p0 $0xF7A, s2;
	p2 =	seq.s32 @!p0 s5, $0x0  }
0x1f: {  	s9 =	smul.u32 $0xF7A, s1;
	s8 =	simm.s32 @!p0 $0x1BF5;
	p2 =	por !p2, p0  }
0x20: {  	[sflag:s8] =	ssyncset.s32 @!p0 $0xFFFFF086;
	s6 =	sadd.s32 @!p0 s3, s7;
	s7 =	simm.s32 @!p0 $0x108  }
0x21: {  	s3 =	sadd.s32 s3, s9;
	s6 =	sadd.s32 @!p0 $0x88, s6;
	s7 =	simm.s32 @p2 $0x1082  }
0x22: {  	[simem:s7], [sflag:s8] =	dma.local @!p0 [hbm:s6], $0xF7A  }
0x23: {  	s9 =	sor.u32 $0xD0000000, s2;
	s6 =	simm.s32 $0x108;
	_ =	swait.ge @!p0 [sflag:s8], $0x0  }
0x24: {  	s3 =	sadd.s32 $0x88, s3;
	s6 =	simm.s32 @!p1 $0x1082;
	[sflag:s4] =	ssyncset.s32 $0xFFFFF086  }
0x25: {  	[simem:s6], [sflag:s4] =	dma.local [hbm:s3], $0xF7A  }
0x26: {  	[smem:$0x3F9E] =	sst s1;
	(tag) =	ssettag s2;
	_ =	strace s9  }
0x27: {  	s1 =	sld [smem:$0x3FAE]  }
0x28: {  	s2 =	sld [smem:$0x3FAF]  }
0x29: {  	s4 =	sld [smem:$0x3FB1]  }
0x2a: {  	p0 =	seq.s32 s5, $0x0;
	s5 =	sld [smem:$0x3FB2]  }
0x2b: {  	s6 =	sld [smem:$0x3FB3]  }
0x2c: {  	s7 =	sld [smem:$0x3FB4]  }
0x2d: {  	s3 =	simm.s32 $0x108;
	s8 =	sld [smem:$0x3FB5]  }
0x2e: {  	s3 =	simm.s32 @!p0 $0x1082;
	s9 =	sld [smem:$0x3FB6]  }
0x2f: {  	lr =	sadd.s32 s0, s3;
	s0 =	sld [smem:$0x3FAD]  }
0x30: {  	s3 =	sld [smem:$0x3FB0]  }
0x31: {  	[smem:$0x3FB9] =	sst s10  }
0x32: {  	s10 =	sld [smem:$0x3FB7];
	_ =	sdelay $0x3  }
0x33: {  	p0 =	seq.s32 s10, $0x1;
	s10 =	sld [smem:$0x3FB9];
	_ =	sdelay $0x3  }
0x34: {  	[smem:$0x3FB9] =	sst s10  }
0x35: {  	s10 =	sld [smem:$0x3FB8];
	_ =	sdelay $0x3  }
0x36: {  	p1 =	seq.s32 s10, $0x1;
	s10 =	sld [smem:$0x3FB9];
	_ =	sdelay $0x3  }
0x37: {  	[smem:$0x3FB9] =	sst s10  }
0x38: {  	s10 =	sld [smem:$0x3FBA]  }
0x39: {  	_ = 	snop;
	(pc) =	sbr.ind lr, $3  }
0x3a: {  	_ = 	snop  }
0x3b: {  	_ = 	snop  }
0x3c: {  	p2 =	seq.s32 s10, $0x1;
	s10 =	sld [smem:$0x3FB9]  }
0x3d: {  	_ =	shalt  }
0x3e: {  	_ =	shalt  }
0x3f: {  	_ =	shalt  }
0x40: {  	_ =	shalt  }
0x41: {  	_ =	shalt  }
0x42: {  	_ =	shalt  }
0x43: {  	_ =	shalt  }
0x44: {  	_ =	shalt  }
0x45: {  	_ =	shalt  }
0x46: {  	_ =	shalt  }
0x47: {  	_ =	shalt  }
0x48: {  	_ =	shalt  }
0x49: {  	_ =	shalt  }
0x4a: {  	_ =	shalt  }
0x4b: {  	_ =	shalt  }
0x4c: {  	_ =	shalt  }
0x4d: {  	_ =	shalt  }
0x4e: {  	_ =	shalt  }
0x4f: {  	_ =	shalt  }
0x50: {  	_ =	shalt  }
0x51: {  	_ =	shalt  }
0x52: {  	_ =	shalt  }
0x53: {  	_ =	shalt  }
0x54: {  	_ =	shalt  }
0x55: {  	_ =	shalt  }
0x56: {  	_ =	shalt  }
0x57: {  	_ =	shalt  }
0x58: {  	_ =	shalt  }
0x59: {  	_ =	shalt  }
0x5a: {  	_ =	shalt  }
0x5b: {  	_ =	shalt  }
0x5c: {  	_ =	shalt  }
0x5d: {  	_ =	shalt  }
0x5e: {  	_ =	shalt  }
0x5f: {  	_ =	shalt  }
0x60: {  	_ =	shalt  }
0x61: {  	_ =	shalt  }
0x62: {  	_ =	shalt  }
0x63: {  	_ =	shalt  }
0x64: {  	_ =	shalt  }
0x65: {  	_ =	shalt  }
0x66: {  	_ =	shalt  }
0x67: {  	_ =	shalt  }
0x68: {  	_ =	shalt  }
0x69: {  	_ =	shalt  }
0x6a: {  	_ =	shalt  }
0x6b: {  	_ =	shalt  }
0x6c: {  	_ =	shalt  }
0x6d: {  	_ =	shalt  }
0x6e: {  	_ =	shalt  }
0x6f: {  	_ =	shalt  }
0x70: {  	_ =	shalt  }
0x71: {  	_ =	shalt  }
0x72: {  	_ =	shalt  }
0x73: {  	_ =	shalt  }
0x74: {  	_ =	shalt  }
0x75: {  	_ =	shalt  }
0x76: {  	_ =	shalt  }
0x77: {  	_ =	shalt  }
0x78: {  	_ =	shalt  }
0x79: {  	_ =	shalt  }
0x7a: {  	_ =	shalt  }
0x7b: {  	_ =	shalt  }
0x7c: {  	_ =	shalt  }
0x7d: {  	_ =	shalt  }
0x7e: {  	_ =	shalt  }
0x7f: {  	_ =	shalt  }
0x80: {  	_ =	shalt  }
0x81: {  	_ =	shalt  }
0x82: {  	_ =	shalt  }
0x83: {  	_ =	shalt  }
0x84: {  	_ =	shalt  }
0x85: {  	_ =	shalt  }
0x86: {  	_ =	shalt  }
0x87: {  	_ =	shalt  }
.Lfunc_end0:
.L_simem_size_0:
called_computation_lowered:
.L_overlay_start_0:
0x88: {  	s2 =	sld [smem:$0x3FD9]  }
0x89: {  	s3 =	sld [smem:$0x3FFE];
	_ =	sdelay $0x1  }
0x8a: {  	s1 =	srdreg.scid  }
0x8b: {  	s0 =	sand.u32 $0x1, s1  }
0x8c: {  	s14 =	sshll.u32 s0, $0xA;
	s2 =	sadd.s32 s3, s2  }
0x8d: {  	s2 =	sadd.s32 s2, s14  }
0x8e: {  	[smem:$0x3FC5] =	sst s2  }
0x8f: {  	_ = 	snop  }
0x90: {  	s2 =	sld [smem:$0x3FD0];
	_ =	sdelay $0x2  }
0x91: {  	s15 =	simm.s32 $0xA;
	s4 =	simm.s32 $0x10  }
0x92: {  	[smem:s4], [sflag:s15] =	dma.local [hbm:s2], $0x1  }
0x93: {  	_ =	swait.eq [sflag:s15], $0x1  }
0x94: {  	[sflag:s15] =	ssyncset.done $0x0  }
0x95: {  	[sflag:s15] =	ssyncadd.s32 $0xFFFFFFFF  }
0x96: {  	s16 =	sld [smem:$0x11];
	(tm) =	ssettm $0x1  }
0x97: {  	s17 =	sld [smem:$0x3FFB];
	_ =	sdelay $0x3  }
0x98: {  	_ =	strace s17  }
0x99: {  	s3 =	sld [smem:$0x3FFC];
	_ =	sdelay $0x3  }
0x9a: {  	_ =	strace s3  }
0x9b: {  	s3 =	sld [smem:$0x3FFD];
	_ =	sdelay $0x3  }
0x9c: {  	_ =	strace s3  }
0x9d: {  	_ =	strace $0x8FFFFFFF  }
0x9e: {  	s18 =	sld [smem:$0x3FDB];
	_ =	sdelay $0x1  }
0x9f: {  	s19 =	simm.s32 $_scs_section_size  }
0xa0: {  	s5 =	simm.s32 $_size__tile_overlayer_lowered;
	s6 =	simm.s32 $_tile_overlayer_lowered  }
0xa1: {  	s22 =	simm.s32 $0x1BFF;
	s21 =	sshll.u32 s6, $0x1;
	s3 =	sadd.s32 s19, s18  }
0xa2: {  	s7 =	simm.s32 $0x0;
	s20 =	sshll.u32 s5, $0x1;
	s5 =	sadd.s32 s21, s3  }
0xa3: {  	[timem:s7], [sflag:s22] =	dma.local [hbm:s5], s20  }
0xa4: {  	_ =	swait.ge [sflag:s22], s20  }
0xa5: {  	s4 =	ssub.s32 $0x0, s20;
	[sflag:s22] =	ssyncset.done $0x0  }
0xa6: {  	[sflag:s22] =	ssyncadd.s32 s4;
	_ =	sdelay $0x1  }
0xa7: {  	s23 =	simm.s32 $0x1B8B  }
0xa8: {  	_ =	swait.ge [sflag:s23], $0x1  }
0xa9: {  	[sflag:s23] =	ssyncset.done $0x0  }
0xaa: {  	s25 =	simm.s32 $0x1B8E;
	s24 =	sld [smem:$0x3FFE];
	[sflag:s23] =	ssyncadd.s32 $0xFFFFFFFF  }
0xab: {  	s26 =	simm.s32 $execute0_lowered;
	[smem:$0x3FD2] =	sst s25  }
0xac: {  	s5 =	sshll.u32 s26, $0x1;
	_ =	strace $0x80000046;
	[dreg:$0x1] =	wrdreg $0xFFFFFFFF  }
0xad: {  	s28 =	simm.s32 $_size_execute0_lowered;
	s3 =	sadd.s32 s3, s5;
	[dreg:$0x0] =	wrdreg $0x0  }
0xae: {  	s5 =	sshll.u32 s28, $0x1;
	[dreg:$0x2] =	wrdreg s3  }
0xaf: {  	[dreg:$0x3] =	wrdreg s5  }
0xb0: {  	[dreg:$0x4] =	wrdreg $0xC0  }
0xb1: {  	_ =	task [dreg:s7], $0x5FFFF  }
0xb2: {  	[dreg:$0x1] =	wrdreg $0xFFFFFFFF  }
0xb3: {  	[dreg:$0x0] =	wrdreg $0x60  }
0xb4: {  	[dreg:$0x2] =	wrdreg s24  }
0xb5: {  	[dreg:$0x3] =	wrdreg s16  }
0xb6: {  	[dreg:$0x4] =	wrdreg $0x9  }
0xb7: {  	_ =	task.clear_ibuf [dreg:s7], $0x5FFFF;
	_ =	strace $0x90000046  }
0xb8: {  	s29 =	simm.s32 $0x9;
	_ =	strace $0x80000048  }
0xb9: {  	_ =	swait.ge [sflag:s29], $0x1  }
0xba: {  	[sflag:s29] =	ssyncadd.s32 $0xFFFFFFFF  }
0xbb: {  	_ =	strace $0x90000048  }
0xbc: {  	_ =	sfence  }
0xbd: {  	s30 =	sld [smem:$0x0];
	_ =	sdelay $0x2  }
0xbe: {  	s31 =	sshll.u32 s1, $0xD;
	s1 =	sshrl.u32 s1, $0x2  }
0xbf: {  	s3 =	sand.u32 $0x4000, s31;
	s1 =	sadd.s32 s1, s30  }
0xc0: {  	s0 =	sor.u32 s3, s0;
	s1 =	sshll.u32 s1, $0x11  }
0xc1: {  	s0 =	sor.u32 s1, s0  }
0xc2: {  	s0 =	sadd.s32 $0x8F2B, s0  }
0xc3: {  	[sflag:s0] =	ssyncadd.remote.s32 $0x1  }
0xc4: {  	_ =	sfence.sel $0xFFFF  }
0xc5: {  	[dreg:$0x0] =	wrdreg $0xFFFFFFFF;
	(pc) =	sbr.abs _section_cstart, $3  }
0xc6: {  	[dreg:$0x1] =	wrdreg $0xFFFFFFFF  }
0xc7: {  	_ =	task.clear_ibuf [dreg:s7], $0x2FFFF;
	_ =	strace $0x9FFFFFFF  }
0xc8: {  	(tm) =	ssettm $0x7FFFFFFF  }
0xc9: {  	_ =	shalt  }
tec
execute0_lowered:
.L_overlay_start_1:
0x0: {  	(tag) =	ssettag $0x1  }
0x1: {  	s4 =	rddreg [dreg:$0x0]  }
0x2: {  	s5 =	rddreg [dreg:$0x1]  }
0x3: {  	s0 =	rddreg [dreg:$0x2]  }
0x4: {  	s2 =	simm.s32 $0x0;
	s3 =	srdreg.scid;
	s1 =	stileid.u32  }
0x5: {  	s10 =	simm.s32 $0x2000;
	s11 =	simm.s32 $0x1;
	s12 =	simm.s32 $0x2080  }
0x6: {  	s13 =	simm.s32 $0x0;
	[smem:$0x7FF] =	sst s2;
	s3 =	sand.u32 $0x1, s3  }
0x7: {  	s6 =	sshll.u32 s1, $0x1;
	_ =	strace $0x80000047;
	s7 =	ssub.s32 $0x2, s3  }
0x8: {  	s6 =	sor.u32 s3, s6;
	s3 =	sadd.s32 $0x20000, s4;
	s8 =	sshrl.u32 s7, $0x1  }
0x9: {  	s9 =	sshll.u32 s6, $0xC;
	s6 =	sshll.u32 s6, $0x4;
	s7 =	ssub.s32 s7, s8  }
0xa: {  	s4 =	sadd.s32 s4, s9;
	s5 =	sadd.s32 s5, s6;
	s6 =	smax.u32 s7, $0x1  }
0xb: {  	s7 =	sadd.s32 $0x400, s4;
	s8 =	sadd.s32 $0x800, s4;
	s9 =	sadd.s32 $0xC00, s4  }
.LBB2_1:
0xc: {  	[tilespmem:s10], [sflag:$0x1] =	stream.linear.gather [hbm4b:s3+s2], $0x80, $0x38;
	[tilespmem:$0x2100] =	vst v63  }
0xd: {  	_ =	swait.ge [sflag:s11], $0x80  }
0xe: {  	[sflag:s11] =	ssyncset.done $0x0  }
0xf: {  	[sflag:s11] =	ssyncadd.s32 $0xFFFFFF80  }
0x10: {  	v0 =	vld [tilespmem:$0x2000];
	[tilespmem:s2], [sflag:$0x1] =	stream.linear.gather [hbm4b:s4+s2], $0x2000, $0x38  }
0x11: {  	_ =	swait.ge [sflag:s11], $0x2000  }
0x12: {  	[sflag:s11] =	ssyncset.done $0x0  }
0x13: {  	s15 =	simm.s32 $0x0;
	[sflag:s11] =	ssyncadd.s32 $0xFFFFE000  }
0x14: {  	v1 =	vimm.s32 $0x0;
	s14 =	simm.s32 $0x40;
	v2 =	vld [tilespmem:s15+$0x0]  }
.LBB2_2:
0x15: {  	_ =	sdelay $0x1  }
0x16: {  	p0 =	sne.s32 s14, $0x7FC0  }
.Ltmp0:
0x17: {  	_ = 	snop;
	(pc) =	sbr.rel @p0 .LBB2_2-.Ltmp0, $4  }
0x18: {  	vm0 =	vgt.f32 v2, v0  }
0x19: {  	v3 =	vmpcnt.ones.xlane vm0  }
0x1a: {  	s15 =	sshra.s32 s14, $0x2  }
0x1b: {  	s14 =	sadd.s32 $0x40, s14;
	v2 =	vld [tilespmem:s15+$0x0];
	v1 =	vadd.s32 v1, v3  }
0x1c: {  	_ =	sdelay $0x1  }
0x1d: {  	s14 =	simm.s32 $0x0  }
0x1e: {  	[tilespmem:s14], [sflag:$0x1] =	stream.linear.gather [hbm4b:s7+s14], $0x2000, $0x38;
	[tilespmem:$0x2100] =	vst v63  }
0x1f: {  	_ =	swait.ge [sflag:s11], $0x2000;
	vm0 =	vgt.f32 v2, v0  }
0x20: {  	[sflag:s11] =	ssyncset.done $0x0;
	v2 =	vmpcnt.ones.xlane vm0  }
0x21: {  	s15 =	simm.s32 $0x0;
	[sflag:s11] =	ssyncadd.s32 $0xFFFFE000  }
0x22: {  	s14 =	simm.s32 $0x40;
	v1 =	vadd.s32 v1, v2;
	v2 =	vld [tilespmem:s15+$0x0]  }
.LBB2_4:
0x23: {  	_ =	sdelay $0x1  }
0x24: {  	p0 =	sne.s32 s14, $0x7FC0  }
.Ltmp1:
0x25: {  	_ = 	snop;
	(pc) =	sbr.rel @p0 .LBB2_4-.Ltmp1, $4  }
0x26: {  	vm0 =	vgt.f32 v2, v0  }
0x27: {  	v3 =	vmpcnt.ones.xlane vm0  }
0x28: {  	s15 =	sshra.s32 s14, $0x2  }
0x29: {  	s14 =	sadd.s32 $0x40, s14;
	v2 =	vld [tilespmem:s15+$0x0];
	v1 =	vadd.s32 v1, v3  }
0x2a: {  	_ =	sdelay $0x1  }
0x2b: {  	s14 =	simm.s32 $0x0  }
0x2c: {  	[tilespmem:s14], [sflag:$0x1] =	stream.linear.gather [hbm4b:s8+s14], $0x2000, $0x38;
	[tilespmem:$0x2100] =	vst v63  }
0x2d: {  	_ =	swait.ge [sflag:s11], $0x2000;
	vm0 =	vgt.f32 v2, v0  }
0x2e: {  	[sflag:s11] =	ssyncset.done $0x0;
	v2 =	vmpcnt.ones.xlane vm0  }
0x2f: {  	s15 =	simm.s32 $0x0;
	[sflag:s11] =	ssyncadd.s32 $0xFFFFE000  }
0x30: {  	s14 =	simm.s32 $0x40;
	v1 =	vadd.s32 v1, v2;
	v2 =	vld [tilespmem:s15+$0x0]  }
.LBB2_6:
0x31: {  	_ =	sdelay $0x1  }
0x32: {  	p0 =	sne.s32 s14, $0x7FC0  }
.Ltmp2:
0x33: {  	_ = 	snop;
	(pc) =	sbr.rel @p0 .LBB2_6-.Ltmp2, $4  }
0x34: {  	vm0 =	vgt.f32 v2, v0  }
0x35: {  	v3 =	vmpcnt.ones.xlane vm0  }
0x36: {  	s15 =	sshra.s32 s14, $0x2  }
0x37: {  	s14 =	sadd.s32 $0x40, s14;
	v2 =	vld [tilespmem:s15+$0x0];
	v1 =	vadd.s32 v1, v3  }
0x38: {  	_ =	sdelay $0x1  }
0x39: {  	s14 =	simm.s32 $0x0  }
0x3a: {  	[tilespmem:s14], [sflag:$0x1] =	stream.linear.gather [hbm4b:s9+s14], $0x2000, $0x38;
	[tilespmem:$0x2100] =	vst v63  }
0x3b: {  	_ =	swait.ge [sflag:s11], $0x2000;
	vm0 =	vgt.f32 v2, v0  }
0x3c: {  	[sflag:s11] =	ssyncset.done $0x0;
	v2 =	vmpcnt.ones.xlane vm0  }
0x3d: {  	s15 =	simm.s32 $0x0;
	[sflag:s11] =	ssyncadd.s32 $0xFFFFE000  }
0x3e: {  	s14 =	simm.s32 $0x40;
	v1 =	vadd.s32 v1, v2;
	v2 =	vld [tilespmem:s15+$0x0]  }
.LBB2_8:
0x3f: {  	_ =	sdelay $0x1  }
0x40: {  	p0 =	sne.s32 s14, $0x7FC0  }
.Ltmp3:
0x41: {  	_ = 	snop;
	(pc) =	sbr.rel @p0 .LBB2_8-.Ltmp3, $4  }
0x42: {  	vm0 =	vgt.f32 v2, v0  }
0x43: {  	v3 =	vmpcnt.ones.xlane vm0  }
0x44: {  	s15 =	sshra.s32 s14, $0x2  }
0x45: {  	s14 =	sadd.s32 $0x40, s14;
	v2 =	vld [tilespmem:s15+$0x0];
	v1 =	vadd.s32 v1, v3  }
0x46: {  	_ =	sdelay $0x3  }
0x47: {  	vm0 =	vgt.f32 v2, v0  }
0x48: {  	v0 =	vmpcnt.ones.xlane vm0  }
0x49: {  	s13 =	sadd.s32 $0x1, s13  }
0x4a: {  	p0 =	sne.s32 s13, s6;
	v0 =	vadd.s32 v1, v0  }
.Ltmp4:
0x4b: {  	[tilespmem:$0x2080] =	vst v0;
	(pc) =	sbr.rel @p0 .LBB2_1-.Ltmp4, $4  }
0x4c: {  	[hbm4b:s5+s2] =	stream.linear.scatter [tilespmem:s12], [sflag:$0x1], $0x80, $0x38;
	[tilespmem:$0x2100] =	vst v63  }
0x4d: {  	_ =	swait.ge [sflag:s11], $0x80  }
0x4e: {  	[sflag:s11] =	ssyncset.done $0x0  }
0x4f: {  	[sflag:s11] =	ssyncadd.s32 $0xFFFFFF80  }
0x50: {  	_ =	sfence.sel $0x180000  }
0x51: {  	[bflag:$0x0] =	sbarrier.arrive $0xFFFF  }
0x52: {  	p0 =	sne.s32 s1, $0x0;
	_ =	strace $0x90000047  }
0x53: {  	s0 =	sadd.s32 @!p0 $0x100000, s0;
	[bflag:$0x2] =	sbarrier.arrive $0xFFFF  }
0x54: {  	[sflag:s0] =	ssyncadd.tile.s32 @!p0 $0x1;
	_ =	shalt  }
.Lfunc_end2:
_tile_overlayer_lowered:
.L_overlay_start_2:
0x55: {  	(tag) =	ssettag $0x2  }
0x56: {  	s0 =	rddreg [dreg:$0x0];
	s2 =	stileid.u32  }
0x57: {  	s1 =	rddreg [dreg:$0x1];
	p0 =	sne.s32 s2, $0x0  }
0x58: {  	s3 =	rddreg [dreg:$0x2];
	[bflag:$0x3] =	sbarrier.arrive $0xFFFF;
	s2 =	simm.s32 @!p0 $0x1C01  }
0x59: {  	[timem:s3], [sflag:s2] =	dma.local @!p0 [hbm:s0], s1  }
0x5a: {  	s0 =	simm.s32 @!p0 $0x1  }
0x5b: {  	_ =	swait.ge @!p0 [sflag:s0], s1  }
0x5c: {  	s1 =	ssub.s32 @!p0 $0x0, s1;
	[sflag:s0] =	ssyncset.done @!p0 $0x0  }
0x5d: {  	[sflag:s0] =	ssyncadd.s32 @!p0 s1  }
0x5e: {  	[bflag:$0x3] =	sbarrier.arrive $0xFFFF  }
0x5f: {  	_ =	shalt  }

// kernel: kernel.9.cloned.1.call-start
scs
__scs_entry_jumppad:
0x0: {  	(pc) =	sbr.rel $0x88, $3  }
0x1: {  	(tag) =	ssettag $0x0;
	lr =	simm.s32 $0x1  }
0x2: {  	[smem:$0x3F9E] =	sst lr;
	_ =	strace $0xD0000000  }
0x3: {  	_ = 	snop  }
0x4: {  	_ = 	snop  }
0x5: {  	_ = 	snop  }
0x6: {  	_ = 	snop  }
0x7: {  	_ = 	snop  }
__scs_overlays_trampoline_lowered:
0x8: {  	[smem:$0x3FAD] =	sst s0  }
0x9: {  	[smem:$0x3FAE] =	sst s1  }
0xa: {  	[smem:$0x3FAF] =	sst s2  }
0xb: {  	[smem:$0x3FB0] =	sst s3  }
0xc: {  	[smem:$0x3FB1] =	sst s4  }
0xd: {  	[smem:$0x3FB2] =	sst s5  }
0xe: {  	[smem:$0x3FB3] =	sst s6  }
0xf: {  	[smem:$0x3FB4] =	sst s7  }
0x10: {  	[smem:$0x3FB5] =	sst s8  }
0x11: {  	[smem:$0x3FB6] =	sst s9;
	s0 =	simm.s32 @!p0 $0x0  }
0x12: {  	s1 =	sld [smem:$0x3F9C];
	s0 =	simm.s32 @p0 $0x1  }
0x13: {  	[smem:$0x3FB7] =	sst s0;
	s0 =	simm.s32 @!p1 $0x0  }
0x14: {  	s2 =	sld [smem:$0x3F9B];
	s0 =	simm.s32 @p1 $0x1  }
0x15: {  	[smem:$0x3FB8] =	sst s0;
	s0 =	simm.s32 @!p2 $0x0  }
0x16: {  	s3 =	sld [smem:$0x3FDB];
	s0 =	simm.s32 @p2 $0x1  }
0x17: {  	s4 =	simm.s32 $0x1BF5;
	[smem:$0x3FBA] =	sst s0  }
0x18: {  	s0 =	sld [smem:$0x3F9D];
	_ =	swait.ge [sflag:s4], $0x0  }
0x19: {  	s7 =	sld [smem:$0x3F9E]  }
0x1a: {  	s8 =	sadd.s32 $0xFFFFE003, lr  }
0x1b: {  	s9 =	sadd.s32 $0xFFFFFEF7, lr;
	s5 =	simm.s32 $0xFFFFFFFF;
	p2 =	slt.u32 s8, $0xFFFFF086  }
0x1c: {  	p1 =	slt.u32 s9, $0xF7A;
	s5 =	simm.s32 @!p2 $0x0  }
0x1d: {  	s5 =	simm.s32 @p1 $0x1;
	p0 =	seq.s32 s7, s2  }
0x1e: {  	s7 =	smul.u32 @!p0 $0xF7A, s2;
	p2 =	seq.s32 @!p0 s5, $0x0  }
0x1f: {  	s9 =	smul.u32 $0xF7A, s1;
	s8 =	simm.s32 @!p0 $0x1BF5;
	p2 =	por !p2, p0  }
0x20: {  	[sflag:s8] =	ssyncset.s32 @!p0 $0xFFFFF086;
	s6 =	sadd.s32 @!p0 s3, s7;
	s7 =	simm.s32 @!p0 $0x108  }
0x21: {  	s3 =	sadd.s32 s3, s9;
	s6 =	sadd.s32 @!p0 $0x88, s6;
	s7 =	simm.s32 @p2 $0x1082  }
0x22: {  	[simem:s7], [sflag:s8] =	dma.local @!p0 [hbm:s6], $0xF7A  }
0x23: {  	s9 =	sor.u32 $0xD0000000, s2;
	s6 =	simm.s32 $0x108;
	_ =	swait.ge @!p0 [sflag:s8], $0x0  }
0x24: {  	s3 =	sadd.s32 $0x88, s3;
	s6 =	simm.s32 @!p1 $0x1082;
	[sflag:s4] =	ssyncset.s32 $0xFFFFF086  }
0x25: {  	[simem:s6], [sflag:s4] =	dma.local [hbm:s3], $0xF7A  }
0x26: {  	[smem:$0x3F9E] =	sst s1;
	(tag) =	ssettag s2;
	_ =	strace s9  }
0x27: {  	s1 =	sld [smem:$0x3FAE]  }
0x28: {  	s2 =	sld [smem:$0x3FAF]  }
0x29: {  	s4 =	sld [smem:$0x3FB1]  }
0x2a: {  	p0 =	seq.s32 s5, $0x0;
	s5 =	sld [smem:$0x3FB2]  }
0x2b: {  	s6 =	sld [smem:$0x3FB3]  }
0x2c: {  	s7 =	sld [smem:$0x3FB4]  }
0x2d: {  	s3 =	simm.s32 $0x108;
	s8 =	sld [smem:$0x3FB5]  }
0x2e: {  	s3 =	simm.s32 @!p0 $0x1082;
	s9 =	sld [smem:$0x3FB6]  }
0x2f: {  	lr =	sadd.s32 s0, s3;
	s0 =	sld [smem:$0x3FAD]  }
0x30: {  	s3 =	sld [smem:$0x3FB0]  }
0x31: {  	[smem:$0x3FB9] =	sst s10  }
0x32: {  	s10 =	sld [smem:$0x3FB7];
	_ =	sdelay $0x3  }
0x33: {  	p0 =	seq.s32 s10, $0x1;
	s10 =	sld [smem:$0x3FB9];
	_ =	sdelay $0x3  }
0x34: {  	[smem:$0x3FB9] =	sst s10  }
0x35: {  	s10 =	sld [smem:$0x3FB8];
	_ =	sdelay $0x3  }
0x36: {  	p1 =	seq.s32 s10, $0x1;
	s10 =	sld [smem:$0x3FB9];
	_ =	sdelay $0x3  }
0x37: {  	[smem:$0x3FB9] =	sst s10  }
0x38: {  	s10 =	sld [smem:$0x3FBA]  }
0x39: {  	_ = 	snop;
	(pc) =	sbr.ind lr, $3  }
0x3a: {  	_ = 	snop  }
0x3b: {  	_ = 	snop  }
0x3c: {  	p2 =	seq.s32 s10, $0x1;
	s10 =	sld [smem:$0x3FB9]  }
0x3d: {  	_ =	shalt  }
0x3e: {  	_ =	shalt  }
0x3f: {  	_ =	shalt  }
0x40: {  	_ =	shalt  }
0x41: {  	_ =	shalt  }
0x42: {  	_ =	shalt  }
0x43: {  	_ =	shalt  }
0x44: {  	_ =	shalt  }
0x45: {  	_ =	shalt  }
0x46: {  	_ =	shalt  }
0x47: {  	_ =	shalt  }
0x48: {  	_ =	shalt  }
0x49: {  	_ =	shalt  }
0x4a: {  	_ =	shalt  }
0x4b: {  	_ =	shalt  }
0x4c: {  	_ =	shalt  }
0x4d: {  	_ =	shalt  }
0x4e: {  	_ =	shalt  }
0x4f: {  	_ =	shalt  }
0x50: {  	_ =	shalt  }
0x51: {  	_ =	shalt  }
0x52: {  	_ =	shalt  }
0x53: {  	_ =	shalt  }
0x54: {  	_ =	shalt  }
0x55: {  	_ =	shalt  }
0x56: {  	_ =	shalt  }
0x57: {  	_ =	shalt  }
0x58: {  	_ =	shalt  }
0x59: {  	_ =	shalt  }
0x5a: {  	_ =	shalt  }
0x5b: {  	_ =	shalt  }
0x5c: {  	_ =	shalt  }
0x5d: {  	_ =	shalt  }
0x5e: {  	_ =	shalt  }
0x5f: {  	_ =	shalt  }
0x60: {  	_ =	shalt  }
0x61: {  	_ =	shalt  }
0x62: {  	_ =	shalt  }
0x63: {  	_ =	shalt  }
0x64: {  	_ =	shalt  }
0x65: {  	_ =	shalt  }
0x66: {  	_ =	shalt  }
0x67: {  	_ =	shalt  }
0x68: {  	_ =	shalt  }
0x69: {  	_ =	shalt  }
0x6a: {  	_ =	shalt  }
0x6b: {  	_ =	shalt  }
0x6c: {  	_ =	shalt  }
0x6d: {  	_ =	shalt  }
0x6e: {  	_ =	shalt  }
0x6f: {  	_ =	shalt  }
0x70: {  	_ =	shalt  }
0x71: {  	_ =	shalt  }
0x72: {  	_ =	shalt  }
0x73: {  	_ =	shalt  }
0x74: {  	_ =	shalt  }
0x75: {  	_ =	shalt  }
0x76: {  	_ =	shalt  }
0x77: {  	_ =	shalt  }
0x78: {  	_ =	shalt  }
0x79: {  	_ =	shalt  }
0x7a: {  	_ =	shalt  }
0x7b: {  	_ =	shalt  }
0x7c: {  	_ =	shalt  }
0x7d: {  	_ =	shalt  }
0x7e: {  	_ =	shalt  }
0x7f: {  	_ =	shalt  }
0x80: {  	_ =	shalt  }
0x81: {  	_ =	shalt  }
0x82: {  	_ =	shalt  }
0x83: {  	_ =	shalt  }
0x84: {  	_ =	shalt  }
0x85: {  	_ =	shalt  }
0x86: {  	_ =	shalt  }
0x87: {  	_ =	shalt  }
.Lfunc_end0:
.L_simem_size_0:
called_computation.1_lowered:
.L_overlay_start_0:
0x88: {  	s2 =	sld [smem:$0x3FD9]  }
0x89: {  	s3 =	sld [smem:$0x3FFE];
	_ =	sdelay $0x1  }
0x8a: {  	s1 =	srdreg.scid  }
0x8b: {  	s0 =	sand.u32 $0x1, s1  }
0x8c: {  	s14 =	sshll.u32 s0, $0xA;
	s2 =	sadd.s32 s3, s2  }
0x8d: {  	s2 =	sadd.s32 s2, s14  }
0x8e: {  	[smem:$0x3FC5] =	sst s2  }
0x8f: {  	_ = 	snop  }
0x90: {  	s2 =	sld [smem:$0x3FD0];
	_ =	sdelay $0x2  }
0x91: {  	s15 =	simm.s32 $0xA;
	s4 =	simm.s32 $0x10  }
0x92: {  	[smem:s4], [sflag:s15] =	dma.local [hbm:s2], $0x1  }
0x93: {  	_ =	swait.eq [sflag:s15], $0x1  }
0x94: {  	[sflag:s15] =	ssyncset.done $0x0  }
0x95: {  	[sflag:s15] =	ssyncadd.s32 $0xFFFFFFFF  }
0x96: {  	s16 =	sld [smem:$0x11];
	(tm) =	ssettm $0x1  }
0x97: {  	s17 =	sld [smem:$0x3FFB];
	_ =	sdelay $0x3  }
0x98: {  	_ =	strace s17  }
0x99: {  	s3 =	sld [smem:$0x3FFC];
	_ =	sdelay $0x3  }
0x9a: {  	_ =	strace s3  }
0x9b: {  	s3 =	sld [smem:$0x3FFD];
	_ =	sdelay $0x3  }
0x9c: {  	_ =	strace s3  }
0x9d: {  	_ =	strace $0x8FFFFFFF  }
0x9e: {  	s18 =	sld [smem:$0x3FDB];
	_ =	sdelay $0x1  }
0x9f: {  	s19 =	simm.s32 $_scs_section_size  }
0xa0: {  	s5 =	simm.s32 $_size__tile_overlayer_lowered;
	s6 =	simm.s32 $_tile_overlayer_lowered  }
0xa1: {  	s22 =	simm.s32 $0x1BFF;
	s21 =	sshll.u32 s6, $0x1;
	s3 =	sadd.s32 s19, s18  }
0xa2: {  	s7 =	simm.s32 $0x0;
	s20 =	sshll.u32 s5, $0x1;
	s5 =	sadd.s32 s21, s3  }
0xa3: {  	[timem:s7], [sflag:s22] =	dma.local [hbm:s5], s20  }
0xa4: {  	_ =	swait.ge [sflag:s22], s20  }
0xa5: {  	s4 =	ssub.s32 $0x0, s20;
	[sflag:s22] =	ssyncset.done $0x0  }
0xa6: {  	[sflag:s22] =	ssyncadd.s32 s4;
	_ =	sdelay $0x1  }
0xa7: {  	s23 =	simm.s32 $0x1B8B  }
0xa8: {  	_ =	swait.ge [sflag:s23], $0x1  }
0xa9: {  	[sflag:s23] =	ssyncset.done $0x0  }
0xaa: {  	s25 =	simm.s32 $0x1B8E;
	s24 =	sld [smem:$0x3FFE];
	[sflag:s23] =	ssyncadd.s32 $0xFFFFFFFF  }
0xab: {  	s26 =	simm.s32 $execute0_lowered;
	[smem:$0x3FD2] =	sst s25  }
0xac: {  	s5 =	sshll.u32 s26, $0x1;
	_ =	strace $0x80000049;
	[dreg:$0x1] =	wrdreg $0xFFFFFFFF  }
0xad: {  	s28 =	simm.s32 $_size_execute0_lowered;
	s3 =	sadd.s32 s3, s5;
	[dreg:$0x0] =	wrdreg $0x0  }
0xae: {  	s5 =	sshll.u32 s28, $0x1;
	[dreg:$0x2] =	wrdreg s3  }
0xaf: {  	[dreg:$0x3] =	wrdreg s5  }
0xb0: {  	[dreg:$0x4] =	wrdreg $0xC0  }
0xb1: {  	_ =	task [dreg:s7], $0x5FFFF  }
0xb2: {  	[dreg:$0x1] =	wrdreg $0xFFFFFFFF  }
0xb3: {  	[dreg:$0x0] =	wrdreg $0x60  }
0xb4: {  	[dreg:$0x2] =	wrdreg s24  }
0xb5: {  	[dreg:$0x3] =	wrdreg s16  }
0xb6: {  	[dreg:$0x4] =	wrdreg $0x9  }
0xb7: {  	_ =	task.clear_ibuf [dreg:s7], $0x5FFFF;
	_ =	strace $0x90000049  }
0xb8: {  	s29 =	simm.s32 $0x9;
	_ =	strace $0x8000004B  }
0xb9: {  	_ =	swait.ge [sflag:s29], $0x1  }
0xba: {  	[sflag:s29] =	ssyncadd.s32 $0xFFFFFFFF  }
0xbb: {  	_ =	strace $0x9000004B  }
0xbc: {  	_ =	sfence  }
0xbd: {  	s30 =	sld [smem:$0x0];
	_ =	sdelay $0x2  }
0xbe: {  	s31 =	sshll.u32 s1, $0xD;
	s1 =	sshrl.u32 s1, $0x2  }
0xbf: {  	s3 =	sand.u32 $0x4000, s31;
	s1 =	sadd.s32 s1, s30  }
0xc0: {  	s0 =	sor.u32 s3, s0;
	s1 =	sshll.u32 s1, $0x11  }
0xc1: {  	s0 =	sor.u32 s1, s0  }
0xc2: {  	s0 =	sadd.s32 $0x8F2B, s0  }
0xc3: {  	[sflag:s0] =	ssyncadd.remote.s32 $0x1  }
0xc4: {  	_ =	sfence.sel $0xFFFF  }
0xc5: {  	[dreg:$0x0] =	wrdreg $0xFFFFFFFF;
	(pc) =	sbr.abs _section_cstart, $3  }
0xc6: {  	[dreg:$0x1] =	wrdreg $0xFFFFFFFF  }
0xc7: {  	_ =	task.clear_ibuf [dreg:s7], $0x2FFFF;
	_ =	strace $0x9FFFFFFF  }
0xc8: {  	(tm) =	ssettm $0x7FFFFFFF  }
0xc9: {  	_ =	shalt  }
tec
execute0_lowered:
.L_overlay_start_1:
0x0: {  	(tag) =	ssettag $0x1  }
0x1: {  	s1 =	rddreg [dreg:$0x0];
	s3 =	simm.s32 $0x0  }
0x2: {  	s0 =	srdreg.scid;
	s11 =	stileid.u32;
	s13 =	simm.s32 $0x2  }
0x3: {  	s14 =	simm.s32 $0x1000;
	s15 =	simm.s32 $0x3000;
	s16 =	simm.s32 $0x5000  }
0x4: {  	s17 =	simm.s32 $0x7080;
	s18 =	simm.s32 $0x10080;
	s19 =	simm.s32 $0x19080  }
0x5: {  	s20 =	simm.s32 $0x19100;
	s21 =	simm.s32 $0x1;
	s22 =	simm.s32 $0x80  }
0x6: {  	s26 =	simm.s32 $0x19200;
	s29 =	simm.s32 $0x19E00;
	s23 =	simm.s32 $0x1AA00  }
0x7: {  	s25 =	simm.s32 $0x0;
	[smem:$0x7FF] =	sst s3;
	s5 =	sadd.s32 $0x60A00, s1  }
0x8: {  	s6 =	sadd.s32 $0x80A00, s1;
	s0 =	sand.u32 $0x1, s0;
	s2 =	sadd.s32 $0x20000, s1  }
0x9: {  	s4 =	sshll.u32 s11, $0x1;
	p0 =	slt.u32 s11, $0x8;
	_ =	strace $0x8000004A  }
.Ltmp0:
0xa: {  	s28 =	ssub.s32 $0x2, s0;
	s0 =	sor.u32 s0, s4;
	(pc) =	sbr.rel .LBB2_1-.Ltmp0, $4  }
0xb: {  	v0 =	vlaneseq.u32;
	[dreg:$0x3] =	wrdreg s2;
	s7 =	sshrl.u32 s28, $0x1;
	s4 =	sadd.s32 $0xFFFFFFF0, s0  }
0xc: {  	v1 =	vmul.u32 $0x80, v0;
	s30 =	sshll.u32 s0, $0x4;
	s2 =	ssub.s32 s28, s7;
	s4 =	smov.u32 @p0 s0  }
0xd: {  	v4 =	vimm.s32 $0x0;
	s8 =	sadd.s32 $0xA0A00, s1;
	s31 =	sor.u32 $0x100000, s30;
	s2 =	smax.u32 s2, $0x1;
	v3 =	vmov s4  }
0xe: {  	s9 =	sadd.s32 $0xC0C00, s1;
	s10 =	sshll.u32 s0, $0xC;
	v2 =	vor.u32 s31, v0;
	[dreg:$0x4] =	wrdreg s2;
	vm0 =	veq.s32 v3, v0;
	v3 =	vor.u32 $0x800, v1  }
.LBB2_17:
0xf: {  	s25 =	sadd.s32 $0x1, s25;
	s0 =	rddreg [dreg:$0x4]  }
0x10: {  	p1 =	sne.s32 s25, s0  }
.Ltmp1:
0x11: {  	_ = 	snop;
	(pc) =	sbr.rel @!p1 .LBB2_18-.Ltmp1, $1  }
0x12: {  	_ =	sdelay $0x3  }
.LBB2_1:
0x13: {  	s0 =	rddreg [dreg:$0x3];
	s2 =	simm.s32 $0x7000  }
0x14: {  	[tilespmem:s2], [sflag:$0x2] =	stream.linear.gather [hbm4b:s0+s3], $0x80, $0x38;
	[tilespmem:$0x1B580] =	vst v63  }
0x15: {  	_ =	swait.ge [sflag:s13], $0x80  }
0x16: {  	[sflag:s13] =	ssyncset.done $0x0  }
0x17: {  	[sflag:s13] =	ssyncadd.s32 $0xFFFFFF80  }
0x18: {  	s24 =	rddreg [dreg:$0x1]  }
0x19: {  	[tilespmem:s3], [sflag:$0x2] =	stream.linear.gather [hbm4b:s24+s3], $0x1000, $0x38;
	[tilespmem:$0x1B580] =	vst v63  }
0x1a: {  	_ =	swait.ge [sflag:s13], $0x1000  }
0x1b: {  	[sflag:s13] =	ssyncset.done $0x0  }
0x1c: {  	[sflag:s13] =	ssyncadd.s32 $0xFFFFF000  }
0x1d: {  	v6 =	vld.idx.msk [tilespmem:v1+s3+$0x0], $0xffff;
	_ =	sdelay $0x4  }
0x1e: {  	(xrf0) =	vadd.scan.msk.s32 $0xffff, v6;
	_ =	sdelay $0x1  }
0x1f: {  	v7 =	vld.idx.msk [tilespmem:v3+s3+$0x0], $0xffff;
	_ =	sdelay $0x3  }
0x20: {  	v5, _, _ =	vpop (xrf0)  }
0x21: {  	(xrf0) =	vadd.scan.msk.s32 $0xffff, v7;
	v8 =	vxor.u32 $0x80000000, v5  }
0x22: {  	(xrf0) =	vmax.scan.msk.u32 $0xffff, v8;
	_ =	sdelay $0x4  }
0x23: {  	v8, _, _ =	vpop (xrf0)  }
0x24: {  	v9, _, _ =	vpop (xrf0)  }
0x25: {  	(v2sf) =	vpush v9, $0xF;
	_ =	sdelay $0xe  }
0x26: {  	s28 =	spop (v2sf)  }
0x27: {  	v8 =	vsub.s32 v8, v7;
	s0 =	sxor.u32 $0x80000000, s28  }
0x28: {  	v5 =	vsub.s32 v5, v6;
	v8 =	vadd.s32 s0, v8  }
0x29: {  	v5 =	vpsel p0, v5, v8  }
0x2a: {  	v5 =	vnsel vm0, $0x0, v5  }
0x2b: {  	(xrf0) =	vadd.scan.msk.s32 $0xffff, v5;
	_ =	sdelay $0x5  }
0x2c: {  	v5, _, _ =	vpop (xrf0)  }
0x2d: {  	(v2sf) =	vpush v5, $0xF;
	_ =	sdelay $0xe  }
0x2e: {  	s4 =	spop (v2sf)  }
0x2f: {  	s30 =	ssub.s32 $0x0, s4  }
0x30: {  	s0 =	sand.u32 $0x7, s30  }
0x31: {  	v10 =	vimm.s32 $0x0;
	s31 =	simm.s32 $0x0;
	v8 =	vld [tilespmem:$0x7000];
	v9 =	vmov s0  }
.LBB2_2:
0x32: {  	s2 =	sshll.u32 s31, $0xA  }
0x33: {  	s2 =	sadd.s32 s10, s2  }
0x34: {  	s11 =	simm.s32 $0x0;
	s7 =	sadd.s32 s1, s2  }
0x35: {  	[tilespmem:s14], [sflag:$0x2] =	stream.linear.gather [hbm4b:s7+s11], $0x2000, $0x38;
	[tilespmem:$0x1B580] =	vst v63  }
0x36: {  	_ =	swait.ge [sflag:s13], $0x2000  }
0x37: {  	[sflag:s13] =	ssyncset.done $0x0  }
0x38: {  	s28 =	sadd.s32 s5, s2;
	[sflag:s13] =	ssyncadd.s32 $0xFFFFE000  }
0x39: {  	[tilespmem:s15], [sflag:$0x2] =	stream.linear.gather [hbm4b:s28+s11], $0x2000, $0x38;
	[tilespmem:$0x1B580] =	vst v63  }
0x3a: {  	_ =	swait.ge [sflag:s13], $0x2000  }
0x3b: {  	[sflag:s13] =	ssyncset.done $0x0  }
0x3c: {  	s2 =	sadd.s32 s6, s2;
	[sflag:s13] =	ssyncadd.s32 $0xFFFFE000  }
0x3d: {  	[tilespmem:s16], [sflag:$0x2] =	stream.linear.gather [hbm4b:s2+s11], $0x2000, $0x38;
	[tilespmem:$0x1B580] =	vst v63  }
0x3e: {  	_ =	swait.ge [sflag:s13], $0x2000  }
0x3f: {  	[sflag:s13] =	ssyncset.done $0x0  }
0x40: {  	s30 =	simm.s32 $0x0;
	[sflag:s13] =	ssyncadd.s32 $0xFFFFE000  }
0x41: {  	v11 =	vld [tilespmem:s30+$0x1000];
	_ =	sdelay $0x4  }
0x42: {  	vm2 =	vgt.f32 v11, v8  }
0x43: {  	v11 =	vsel vm2, $0x1, v4  }
0x44: {  	(xrf0) =	vadd.scan.msk.s32 $0xffff, v11;
	_ =	sdelay $0x5  }
0x45: {  	v11, _, _ =	vpop (xrf0)  }
0x46: {  	v11 =	vadd.s32 v11, v10  }
0x47: {  	v12 =	vadd.s32 $0xFFFFFFFF, v11  }
0x48: {  	v11 =	vsub.s32 v12, v9  }
0x49: {  	vm1 =	vgt.s32 v11, $0xFFFFFFFF  }
0x4a: {  	vm3 =	vmand vm2, vm1  }
0x4b: {  	v14 =	vld [tilespmem:s30+$0x3000];
	vm1 =	vlt.s32 v11, $0x0  }
0x4c: {  	v13 =	vld [tilespmem:s30+$0x5000];
	vm1 =	vmand vm2, vm1;
	_ =	sdelay $0x2  }
0x4d: {  	v15 =	vmpcnt.ones.xlane vm2  }
0x4e: {  	[tilespmem:v11+s17+$0x0] =	vst.idx.msk vm3, v14  }
0x4f: {  	v10 =	vadd.s32 v10, v15;
	[tilespmem:v11+s18+$0x0] =	vst.idx.msk vm3, v13  }
0x50: {  	s12 =	simm.s32 $0x80;
	s2 =	simm.s32 $0x40;
	v11 =	vmov v10;
	[tilespmem:v12+s19+$0x0] =	vst.idx.msk vm1, v14  }
.LBB2_3:
0x51: {  	p1 =	sne.s32 s12, $0x7FC0  }
0x52: {  	s7 =	sshra.s32 s2, $0x2;
	[tilespmem:v12+s20+$0x0] =	vst.idx.msk vm1, v13;
	s2 =	smov.u32 s12;
	s12 =	sadd.s32 $0x40, s12  }
0x53: {  	v12 =	vld [tilespmem:s7+$0x1000];
	_ =	sdelay $0x4  }
0x54: {  	vm1 =	vgt.f32 v12, v8  }
0x55: {  	v12 =	vsel vm1, $0x1, v4;
	v13 =	vmpcnt.ones.xlane vm1  }
0x56: {  	(xrf0) =	vadd.scan.msk.s32 $0xffff, v12  }
0x57: {  	v10 =	vadd.s32 v10, v13;
	_ =	sdelay $0x4  }
0x58: {  	v12, _, _ =	vpop (xrf0)  }
0x59: {  	v12 =	vadd.s32 v12, v11;
	v11 =	vmov v10  }
0x5a: {  	v12 =	vadd.s32 $0xFFFFFFFF, v12  }
0x5b: {  	v14 =	vsub.s32 v12, v9  }
0x5c: {  	vm2 =	vgt.s32 v14, $0xFFFFFFFF;
	vm3 =	vlt.s32 v14, $0x0  }
0x5d: {  	vm2 =	vmand vm1, vm2  }
0x5e: {  	v15 =	vld [tilespmem:s7+$0x3000]  }
0x5f: {  	vm1 =	vmand vm1, vm3;
	v13 =	vld [tilespmem:s7+$0x5000];
	_ =	sdelay $0x1  }
.Ltmp2:
0x60: {  	(pc) =	sbr.rel @p1 .LBB2_3-.Ltmp2, $4  }
0x61: {  	_ = 	snop  }
0x62: {  	[tilespmem:v14+s17+$0x0] =	vst.idx.msk vm2, v15  }
0x63: {  	[tilespmem:v14+s18+$0x0] =	vst.idx.msk vm2, v13  }
0x64: {  	[tilespmem:v12+s19+$0x0] =	vst.idx.msk vm1, v15  }
0x65: {  	_ =	sdelay $0x4  }
0x66: {  	s2 =	sshra.s32 s2, $0x2;
	[tilespmem:v12+s20+$0x0] =	vst.idx.msk vm1, v13  }
0x67: {  	v12 =	vld [tilespmem:s2+$0x1000];
	_ =	sdelay $0x4  }
0x68: {  	vm1 =	vgt.f32 v12, v8  }
0x69: {  	v12 =	vsel vm1, $0x1, v4  }
0x6a: {  	(xrf0) =	vadd.scan.msk.s32 $0xffff, v12;
	_ =	sdelay $0x5  }
0x6b: {  	v12, _, _ =	vpop (xrf0)  }
0x6c: {  	v11 =	vadd.s32 v12, v11  }
0x6d: {  	v11 =	vadd.s32 $0xFFFFFFFF, v11  }
0x6e: {  	v62 =	vsub.s32 v11, v9  }
0x6f: {  	vm2 =	vgt.s32 v62, $0xFFFFFFFF  }
0x70: {  	vm2 =	vmand vm1, vm2  }
0x71: {  	v13 =	vld [tilespmem:s2+$0x3000];
	vm3 =	vlt.s32 v62, $0x0  }
0x72: {  	v14 =	vld [tilespmem:s2+$0x5000];
	vm3 =	vmand vm1, vm3  }
0x73: {  	s31 =	sadd.s32 $0x1, s31  }
0x74: {  	p1 =	sne.s32 s31, $0x4  }
.Ltmp3:
0x75: {  	_ = 	snop;
	(pc) =	sbr.rel @p1 .LBB2_2-.Ltmp3, $4  }
0x76: {  	[tilespmem:v62+s17+$0x0] =	vst.idx.msk vm2, v13  }
0x77: {  	v63 =	vmpcnt.ones.xlane vm1;
	[tilespmem:v62+s18+$0x0] =	vst.idx.msk vm2, v14  }
0x78: {  	[tilespmem:v11+s19+$0x0] =	vst.idx.msk vm3, v13  }
0x79: {  	v10 =	vadd.s32 v10, v63;
	[tilespmem:v11+s20+$0x0] =	vst.idx.msk vm3, v14  }
0x7a: {  	v6 =	vpsel p0, v6, v7  }
0x7b: {  	v6 =	vnsel vm0, $0x0, v6  }
0x7c: {  	(xrf0) =	vadd.scan.msk.s32 $0xffff, v6;
	_ =	sdelay $0x5  }
0x7d: {  	v6, _, _ =	vpop (xrf0)  }
0x7e: {  	(v2sf) =	vpush v6, $0xF;
	_ =	sdelay $0xe  }
0x7f: {  	s24 =	spop (v2sf)  }
0x80: {  	s31 =	ssub.s32 s24, s0  }
0x81: {  	p1 =	sgt.s32 s31, $0x0;
	s2 =	smov.u32 s31  }
0x82: {  	s2 =	simm.s32 @!p1 $0x0  }
0x83: {  	s7 =	sand.u32 $0x7FF, s2  }
0x84: {  	p6 =	slt.s32 s31, $0x1;
	p2 =	sne.s32 s7, $0x0  }
0x85: {  	p1 =	por !p6, !p2  }
0x86: {  	s7 =	simm.s32 $0x1;
	p1 =	por !p1, !p1  }
0x87: {  	s2 =	sshrl.u32 s2, $0xB;
	s7 =	simm.s32 @!p1 $0x0  }
0x88: {  	s12 =	ssub.s32 s2, s7  }
0x89: {  	p2 =	slt.s32 s12, $0x1  }
.Ltmp4:
0x8a: {  	_ = 	snop;
	(pc) =	sbr.rel @p2 .LBB2_13-.Ltmp4, $2  }
0x8b: {  	_ =	sdelay $0x2  }
0x8c: {  	s4 =	sadd.s32 s4, s0  }
0x8d: {  	p3 =	sne.s32 s12, $0x1  }
.Ltmp5:
0x8e: {  	_ = 	snop;
	(pc) =	sbr.rel @!p3 .LBB2_7-.Ltmp5, $3  }
0x8f: {  	_ =	sdelay $0x1  }
0x90: {  	[dreg:$0x5] =	wrdreg s25;
	s25 =	simm.s32 $0x7080;
	s7 =	simm.s32 $0x10080  }
0x91: {  	s28 =	sadd.s32 $0xFFFFFFFF, s12;
	s11 =	sshrl.u32 s4, $0x3;
	p2 =	por $0x0, $0x0  }
0x92: {  	s23 =	sadd.s32 s8, s11  }
0x93: {  	[hbm4b:s23+s3] =	stream.linear.scatter [tilespmem:s25], [sflag:$0x1], $0x800, $0x38;
	[tilespmem:$0x1B580] =	vst v63  }
0x94: {  	s29 =	sadd.s32 s9, s11;
	p3 =	sne.s32 s28, $0x1  }
0x95: {  	[hbm4b:s29+s3] =	stream.linear.scatter [tilespmem:s7], [sflag:$0x1], $0x800, $0x38;
	[tilespmem:$0x1B580] =	vst v63  }
.Ltmp6:
0x96: {  	_ =	swait.ge [sflag:s21], $0x800;
	(pc) =	sbr.rel @!p3 .LBB2_9-.Ltmp6, $4  }
0x97: {  	[sflag:s21] =	ssyncset.done $0x0  }
0x98: {  	s28 =	sadd.s32 $0xFFFFFFFF, s28;
	p2 =	por $0x1, $0x1;
	[sflag:s21] =	ssyncadd.s32 $0xFFFFF800  }
0x99: {  	s30 =	simm.s32 $0x7080;
	s23 =	sadd.s32 $0x800, s4;
	_ =	swait.ge [sflag:s21], $0x800  }
0x9a: {  	s11 =	sshrl.u32 s23, $0x3;
	s7 =	simm.s32 $0x10880;
	[sflag:s21] =	ssyncset.done $0x0  }
.LBB2_10:
0x9b: {  	s29 =	sadd.s32 s8, s11;
	[sflag:s21] =	ssyncadd.s32 $0xFFFFF800;
	s30 =	sadd.s32 $0x800, s30  }
0x9c: {  	[hbm4b:s29+s3] =	stream.linear.scatter [tilespmem:s30], [sflag:$0x1], $0x800, $0x38;
	[tilespmem:$0x1B580] =	vst v63  }
0x9d: {  	p3 =	sne.s32 s28, $0x1;
	s28 =	sadd.s32 $0xFFFFFFFF, s28;
	s11 =	sadd.s32 s9, s11  }
0x9e: {  	[hbm4b:s11+s3] =	stream.linear.scatter [tilespmem:s7], [sflag:$0x1], $0x800, $0x38;
	[tilespmem:$0x1B580] =	vst v63  }
.Ltmp7:
0x9f: {  	_ =	swait.ge [sflag:s21], $0x800;
	(pc) =	sbr.rel @p3 .LBB2_10-.Ltmp7, $4  }
0xa0: {  	[sflag:s21] =	ssyncset.done $0x0  }
0xa1: {  	[sflag:s21] =	ssyncadd.s32 $0xFFFFF800  }
0xa2: {  	s23 =	sadd.s32 $0x800, s23;
	_ =	swait.ge [sflag:s21], $0x800  }
0xa3: {  	s11 =	sshrl.u32 s23, $0x3;
	s7 =	sadd.s32 $0x800, s7;
	[sflag:s21] =	ssyncset.done $0x0  }
0xa4: {  	s29 =	simm.s32 $0x19E00  }
.LBB2_12:
0xa5: {  	s23 =	sadd.s32 @p2 $0x800, s30  }
0xa6: {  	s28 =	sadd.s32 s8, s11;
	[sflag:s21] =	ssyncadd.s32 @p2 $0xFFFFF800;
	s25 =	smov.u32 @p2 s23  }
0xa7: {  	[hbm4b:s28+s3] =	stream.linear.scatter [tilespmem:s25], [sflag:$0x1], $0x800, $0x38;
	[tilespmem:$0x1B580] =	vst v63  }
0xa8: {  	s30 =	sadd.s32 s9, s11  }
0xa9: {  	[hbm4b:s30+s3] =	stream.linear.scatter [tilespmem:s7], [sflag:$0x1], $0x800, $0x38;
	[tilespmem:$0x1B580] =	vst v63  }
0xaa: {  	_ =	swait.ge [sflag:s21], $0x800  }
0xab: {  	[sflag:s21] =	ssyncset.done $0x0  }
0xac: {  	[sflag:s21] =	ssyncadd.s32 $0xFFFFF800  }
0xad: {  	_ =	swait.ge [sflag:s21], $0x800  }
0xae: {  	[sflag:s21] =	ssyncset.done $0x0  }
0xaf: {  	s23 =	simm.s32 $0x1AA00;
	s25 =	rddreg [dreg:$0x5];
	[sflag:s21] =	ssyncadd.s32 $0xFFFFF800  }
.LBB2_13:
0xb0: {  	[tilespmem:$0x19190] =	vst v2  }
0xb1: {  	[tilespmem:$0x191A0] =	vst v2  }
0xb2: {  	p2 =	slt.s32 s0, s24;
	[tilespmem:$0x191B0] =	vst v2  }
0xb3: {  	v5 =	vbroadcast v5, $0xF;
	v6 =	vld [tilespmem:$0x19080];
	[tilespmem:$0x191C0] =	vst v2;
	s24 =	smov.u32 @p2 s0  }
0xb4: {  	v8 =	vld [tilespmem:$0x19100];
	[tilespmem:$0x191D0] =	vst v2;
	v7 =	vmov s24  }
0xb5: {  	[tilespmem:$0x191E0] =	vst v2;
	v5 =	vadd.s32 v0, v5;
	vm1 =	vgt.s32 v7, v0  }
0xb6: {  	[tilespmem:$0x191F0] =	vst v2;
	v5 =	vsel vm1, v5, v2  }
0xb7: {  	[tilespmem:$0x19180] =	vst v5  }
0xb8: {  	[tilespmem:$0x19D80] =	vst v6  }
0xb9: {  	s7 =	simm.s32 $0x19D80;
	s24 =	simm.s32 $0x19180;
	[tilespmem:$0x1A980] =	vst v8  }
0xba: {  	[hbm4b:s8+s22] =	stream.indirect.scatter [tilespmem:s7], [sflag:$0x1], $0x1, s24, s22, $0xb8;
	[tilespmem:$0x1B580] =	vst v63  }
0xbb: {  	s28 =	simm.s32 $0x1A980  }
0xbc: {  	[hbm4b:s9+s22] =	stream.indirect.scatter [tilespmem:s28], [sflag:$0x1], $0x1, s24, s22, $0xb8;
	[tilespmem:$0x1B580] =	vst v63  }
0xbd: {  	s2 =	sshll.u32 s2, $0xB;
	_ =	swait.ge [sflag:s21], $0x80  }
.Ltmp8:
0xbe: {  	s0 =	simm.s32 $0xFFFFFFFF;
	[sflag:s21] =	ssyncset.done $0x0;
	(pc) =	sbr.rel .LBB2_14-.Ltmp8, $4  }
0xbf: {  	s30 =	sshll.u32 s12, $0xD;
	s0 =	simm.s32 @!p1 $0x0;
	[sflag:s21] =	ssyncadd.s32 $0xFFFFFF80  }
0xc0: {  	s12 =	simm.s32 $0x0;
	s0 =	sshll.u32 s0, $0xB;
	_ =	swait.ge [sflag:s21], $0x80  }
0xc1: {  	s0 =	sadd.s32 s0, s2;
	s7 =	sshra.s32 s30, $0x2;
	[sflag:s21] =	ssyncset.done $0x0  }
0xc2: {  	v5 =	vmov s31;
	v6 =	vmov s4;
	s2 =	sadd.s32 $0x70C0, s7;
	s4 =	sadd.s32 $0x100C0, s7;
	[sflag:s21] =	ssyncadd.s32 $0xFFFFFF80  }
.LBB2_16:
0xc3: {  	s12 =	sadd.s32 $0x80, s12  }
0xc4: {  	p1 =	sne.s32 s12, $0x880  }
.Ltmp9:
0xc5: {  	_ = 	snop;
	(pc) =	sbr.rel @!p1 .LBB2_17-.Ltmp9, $2  }
0xc6: {  	_ =	sdelay $0x2  }
0xc7: {  	s2 =	sadd.s32 $0x80, s2;
	s4 =	sadd.s32 $0x80, s4  }
.LBB2_14:
0xc8: {  	s24 =	sadd.s32 s12, s0  }
0xc9: {  	p1 =	sge.s32 s24, s31  }
.Ltmp10:
0xca: {  	_ = 	snop;
	(pc) =	sbr.rel @p1 .LBB2_16-.Ltmp10, $1  }
0xcb: {  	_ =	sdelay $0x3  }
0xcc: {  	v7 =	vor.u32 s24, v0  }
0xcd: {  	vm1 =	vlt.s32 v7, v5;
	v7 =	vadd.s32 v6, v7  }
0xce: {  	v7 =	vsel vm1, v7, v2  }
0xcf: {  	[tilespmem:$0x19200] =	vst v7  }
0xd0: {  	v7 =	vld [tilespmem:s2+$0xFFFFFFC0];
	_ =	sdelay $0x4  }
0xd1: {  	[tilespmem:$0x19E00] =	vst v7  }
0xd2: {  	v7 =	vld [tilespmem:s4+$0xFFFFFFC0];
	_ =	sdelay $0x1  }
0xd3: {  	s7 =	sadd.s32 $0x10, s24  }
0xd4: {  	v8 =	vor.u32 s7, v0  }
0xd5: {  	vm1 =	vlt.s32 v8, v5;
	v8 =	vadd.s32 v6, v8  }
0xd6: {  	[tilespmem:$0x1AA00] =	vst v7;
	v7 =	vsel vm1, v8, v2  }
0xd7: {  	[tilespmem:$0x19210] =	vst v7  }
0xd8: {  	v7 =	vld [tilespmem:s2+$0xFFFFFFD0];
	_ =	sdelay $0x4  }
0xd9: {  	[tilespmem:$0x19E10] =	vst v7  }
0xda: {  	v7 =	vld [tilespmem:s4+$0xFFFFFFD0];
	_ =	sdelay $0x1  }
0xdb: {  	s11 =	sadd.s32 $0x20, s24  }
0xdc: {  	v8 =	vor.u32 s11, v0  }
0xdd: {  	vm1 =	vlt.s32 v8, v5;
	v8 =	vadd.s32 v6, v8  }
0xde: {  	[tilespmem:$0x1AA10] =	vst v7;
	v7 =	vsel vm1, v8, v2  }
0xdf: {  	[tilespmem:$0x19220] =	vst v7  }
0xe0: {  	v7 =	vld [tilespmem:s2+$0xFFFFFFE0];
	_ =	sdelay $0x4  }
0xe1: {  	[tilespmem:$0x19E20] =	vst v7  }
0xe2: {  	v7 =	vld [tilespmem:s4+$0xFFFFFFE0];
	_ =	sdelay $0x1  }
0xe3: {  	s28 =	sadd.s32 $0x30, s24  }
0xe4: {  	v8 =	vor.u32 s28, v0  }
0xe5: {  	vm1 =	vlt.s32 v8, v5;
	v8 =	vadd.s32 v6, v8  }
0xe6: {  	[tilespmem:$0x1AA20] =	vst v7;
	v7 =	vsel vm1, v8, v2  }
0xe7: {  	[tilespmem:$0x19230] =	vst v7  }
0xe8: {  	v7 =	vld [tilespmem:s2+$0xFFFFFFF0];
	_ =	sdelay $0x4  }
0xe9: {  	[tilespmem:$0x19E30] =	vst v7  }
0xea: {  	v7 =	vld [tilespmem:s4+$0xFFFFFFF0];
	_ =	sdelay $0x1  }
0xeb: {  	s30 =	sadd.s32 $0x40, s24  }
0xec: {  	v8 =	vor.u32 s30, v0  }
0xed: {  	vm1 =	vlt.s32 v8, v5;
	v8 =	vadd.s32 v6, v8  }
0xee: {  	[tilespmem:$0x1AA30] =	vst v7;
	v7 =	vsel vm1, v8, v2  }
0xef: {  	[tilespmem:$0x19240] =	vst v7  }
0xf0: {  	v7 =	vld [tilespmem:s2+$0x0];
	_ =	sdelay $0x4  }
0xf1: {  	[tilespmem:$0x19E40] =	vst v7  }
0xf2: {  	v7 =	vld [tilespmem:s4+$0x0];
	_ =	sdelay $0x1  }
0xf3: {  	s11 =	sadd.s32 $0x50, s24  }
0xf4: {  	v8 =	vor.u32 s11, v0  }
0xf5: {  	vm1 =	vlt.s32 v8, v5;
	v8 =	vadd.s32 v6, v8  }
0xf6: {  	[tilespmem:$0x1AA40] =	vst v7;
	v7 =	vsel vm1, v8, v2  }
0xf7: {  	[tilespmem:$0x19250] =	vst v7  }
0xf8: {  	v7 =	vld [tilespmem:s2+$0x10];
	_ =	sdelay $0x4  }
0xf9: {  	[tilespmem:$0x19E50] =	vst v7  }
0xfa: {  	v7 =	vld [tilespmem:s4+$0x10];
	_ =	sdelay $0x1  }
0xfb: {  	s28 =	sadd.s32 $0x60, s24  }
0xfc: {  	v8 =	vor.u32 s28, v0  }
0xfd: {  	vm1 =	vlt.s32 v8, v5;
	v8 =	vadd.s32 v6, v8  }
0xfe: {  	[tilespmem:$0x1AA50] =	vst v7;
	v7 =	vsel vm1, v8, v2  }
0xff: {  	[tilespmem:$0x19260] =	vst v7  }
0x100: {  	v7 =	vld [tilespmem:s2+$0x20];
	_ =	sdelay $0x4  }
0x101: {  	[tilespmem:$0x19E60] =	vst v7  }
0x102: {  	v7 =	vld [tilespmem:s4+$0x20];
	_ =	sdelay $0x1  }
0x103: {  	s30 =	sadd.s32 $0x70, s24  }
0x104: {  	v8 =	vor.u32 s30, v0  }
0x105: {  	vm1 =	vlt.s32 v8, v5;
	v8 =	vadd.s32 v6, v8  }
0x106: {  	[tilespmem:$0x1AA60] =	vst v7;
	v7 =	vsel vm1, v8, v2  }
0x107: {  	[tilespmem:$0x19270] =	vst v7  }
0x108: {  	v7 =	vld [tilespmem:s2+$0x30];
	_ =	sdelay $0x4  }
0x109: {  	[tilespmem:$0x19E70] =	vst v7  }
0x10a: {  	v7 =	vld [tilespmem:s4+$0x30];
	_ =	sdelay $0x4  }
0x10b: {  	[tilespmem:$0x1AA70] =	vst v7  }
0x10c: {  	[hbm4b:s8+s22] =	stream.indirect.scatter [tilespmem:s29], [sflag:$0x1], $0x1, s26, s22, $0xb8;
	[tilespmem:$0x1B580] =	vst v63  }
0x10d: {  	_ = 	snop  }
0x10e: {  	[hbm4b:s9+s22] =	stream.indirect.scatter [tilespmem:s23], [sflag:$0x1], $0x1, s26, s22, $0xb8;
	[tilespmem:$0x1B580] =	vst v63  }
0x10f: {  	_ =	swait.ge [sflag:s21], $0x80  }
.Ltmp11:
0x110: {  	[sflag:s21] =	ssyncset.done $0x0;
	(pc) =	sbr.rel .LBB2_16-.Ltmp11, $4  }
0x111: {  	[sflag:s21] =	ssyncadd.s32 $0xFFFFFF80  }
0x112: {  	_ =	swait.ge [sflag:s21], $0x80  }
0x113: {  	[sflag:s21] =	ssyncset.done $0x0  }
0x114: {  	[sflag:s21] =	ssyncadd.s32 $0xFFFFFF80  }
.LBB2_7:
.Ltmp12:
0x115: {  	(pc) =	sbr.rel .LBB2_12-.Ltmp12, $2  }
0x116: {  	_ =	sdelay $0x2  }
0x117: {  	s30 =	simm.s32 $0x7080  }
.LBB2_9:
.Ltmp13:
0x118: {  	(pc) =	sbr.rel .LBB2_12-.Ltmp13, $2  }
0x119: {  	_ =	sdelay $0x2  }
0x11a: {  	s30 =	simm.s32 $0x7080;
	s29 =	simm.s32 $0x19E00  }
.LBB2_18:
0x11b: {  	_ =	sfence.sel $0x180000  }
0x11c: {  	[bflag:$0x0] =	sbarrier.arrive $0xFFFF  }
0x11d: {  	_ =	strace $0x9000004A  }
0x11e: {  	s0 =	stileid.u32;
	[bflag:$0x2] =	sbarrier.arrive $0xFFFF  }
0x11f: {  	p0 =	sne.s32 s0, $0x0;
	s0 =	rddreg [dreg:$0x2]  }
0x120: {  	s0 =	sadd.s32 @!p0 $0x100000, s0  }
0x121: {  	[sflag:s0] =	ssyncadd.tile.s32 @!p0 $0x1;
	_ =	shalt  }
.Lfunc_end2:
_tile_overlayer_lowered:
.L_overlay_start_2:
0x122: {  	(tag) =	ssettag $0x2  }
0x123: {  	s0 =	rddreg [dreg:$0x0];
	s2 =	stileid.u32  }
0x124: {  	s1 =	rddreg [dreg:$0x1];
	p0 =	sne.s32 s2, $0x0  }
0x125: {  	s3 =	rddreg [dreg:$0x2];
	[bflag:$0x3] =	sbarrier.arrive $0xFFFF;
	s2 =	simm.s32 @!p0 $0x1C02  }
0x126: {  	[timem:s3], [sflag:s2] =	dma.local @!p0 [hbm:s0], s1  }
0x127: {  	s0 =	simm.s32 @!p0 $0x2  }
0x128: {  	_ =	swait.ge @!p0 [sflag:s0], s1  }
0x129: {  	s1 =	ssub.s32 @!p0 $0x0, s1;
	[sflag:s0] =	ssyncset.done @!p0 $0x0  }
0x12a: {  	[sflag:s0] =	ssyncadd.s32 @!p0 s1  }
0x12b: {  	[bflag:$0x3] =	sbarrier.arrive $0xFFFF  }
0x12c: {  	_ =	shalt  }

</sc_bundles>
